<compile_context>
chip_gen: v7x
topology: tpu7x:2x2x1
jax: 0.10.2.dev20260603
libtpu: 0.0.44.dev20260713+nightly
codegen_flags: <defaults>
</compile_context>

<pallas_src>
import functools

import jax
import jax.numpy as jnp
from jax import lax
from jax.experimental import pallas as pl
from jax.experimental.pallas import tpu as pltpu
from jax.experimental.pallas import tpu_sc as plsc

N = 10000
E = 320000
D = 128
G = 64

NC = 2
NS = 16
NW = NC * NS

NPAD = 10240
EP = NW * 80 * 128
RPW = EP // NW // 128
TROWS = NPAD // NS
TCH = TROWS // 128

_sc_mesh = plsc.VectorSubcoreMesh(core_axis_name="c", subcore_axis_name="s")


@functools.partial(
    pl.kernel,
    out_type=jax.ShapeDtypeStruct((NC * NPAD, D), jnp.float32),
    mesh=_sc_mesh,
    scratch_types=[
        pltpu.VMEM((RPW, 128), jnp.int32),
        pltpu.VMEM((RPW, 128), jnp.int32),
        pltpu.VMEM((128, D), jnp.float32),
        pltpu.VMEM_SHARED((NPAD, D), jnp.float32),
        pltpu.SemaphoreType.DMA,
    ],
)
def _agg_sc(x_hbm, src_hbm, dst_hbm, out_hbm, src_v, dst_v, rows_v, acc_sh, sem):
    cid = lax.axis_index("c")
    sid = lax.axis_index("s")
    wid = cid * NS + sid

    z16 = jnp.zeros((16,), jnp.float32)

    def zrow(i, _):
        for k in range(8):
            rows_v[i, pl.ds(k * 16, 16)] = z16
        return 0

    lax.fori_loop(0, 128, zrow, 0)

    def zacc(i, _):
        pltpu.sync_copy(rows_v, acc_sh.at[pl.ds((sid * TCH + i) * 128, 128)])
        return 0

    lax.fori_loop(0, TCH, zacc, 0)

    pltpu.sync_copy(src_hbm.at[pl.ds(wid * RPW, RPW)], src_v)
    pltpu.sync_copy(dst_hbm.at[pl.ds(wid * RPW, RPW)], dst_v)
    plsc.subcore_barrier()

    def ebody(j, _):
        pltpu.async_copy(x_hbm.at[src_v.at[j]], rows_v, sem).wait()
        pltpu.sync_copy(rows_v, acc_sh.at[dst_v.at[j]], add=True)
        return 0

    lax.fori_loop(0, RPW, ebody, 0)
    plsc.subcore_barrier()

    def wout(i, _):
        row = (sid * TCH + i) * 128
        pltpu.sync_copy(acc_sh.at[pl.ds(row, 128)],
                        out_hbm.at[pl.ds(cid * NPAD + row, 128)])
        return 0

    lax.fori_loop(0, TCH, wout, 0)


@functools.partial(
    pl.kernel,
    out_type=jax.ShapeDtypeStruct((NC * 128, D), jnp.float32),
    mesh=_sc_mesh,
    scratch_types=[
        pltpu.VMEM((4, 80), jnp.int32),
        pltpu.VMEM((80, D), jnp.float32),
        pltpu.VMEM_SHARED((128, D), jnp.float32),
    ],
)
def _pool_sc(x_hbm, b_hbm, out_hbm, bidx_v, rows_v, pool_sh):
    cid = lax.axis_index("c")
    sid = lax.axis_index("s")
    wid = cid * NS + sid

    z16 = jnp.zeros((16,), jnp.float32)

    def zrow(i, _):
        for k in range(8):
            rows_v[i, pl.ds(k * 16, 16)] = z16
        return 0

    lax.fori_loop(0, 8, zrow, 0)
    pltpu.sync_copy(rows_v.at[pl.ds(0, 8)], pool_sh.at[pl.ds(sid * 8, 8)])
    pltpu.sync_copy(b_hbm.at[pl.ds(wid * 4, 4)], bidx_v)
    plsc.subcore_barrier()

    def pbody(j, _):
        pltpu.sync_copy(x_hbm.at[pl.ds((wid * 4 + j) * 80, 80)], rows_v)
        pltpu.sync_copy(rows_v, pool_sh.at[bidx_v.at[j]], add=True)
        return 0

    lax.fori_loop(0, 4, pbody, 0)
    plsc.subcore_barrier()
    pltpu.sync_copy(pool_sh.at[pl.ds(sid * 8, 8)],
                    out_hbm.at[pl.ds(cid * 128 + sid * 8, 8)])


def _mlp_body(x_ref, a_ref, w1_ref, c1_ref, w2_ref, b2_ref, o_ref):
    h = x_ref[...] + a_ref[0] + a_ref[1]
    h = jnp.dot(h, w1_ref[...], preferred_element_type=jnp.float32) + c1_ref[...]
    h = jnp.maximum(h, 0.0)
    h = jnp.dot(h, w2_ref[...], preferred_element_type=jnp.float32) + b2_ref[...]
    o_ref[...] = jnp.maximum(h, 0.0)


_MLP_BLK = 1024


def _mlp_tc(x, agg, w1, c1, w2, b2):
    return pl.pallas_call(
        _mlp_body,
        grid=(NPAD // _MLP_BLK,),
        in_specs=[
            pl.BlockSpec((_MLP_BLK, D), lambda i: (i, 0)),
            pl.BlockSpec((NC, _MLP_BLK, D), lambda i: (0, i, 0)),
            pl.BlockSpec((D, D), lambda i: (0, 0)),
            pl.BlockSpec((1, D), lambda i: (0, 0)),
            pl.BlockSpec((D, D), lambda i: (0, 0)),
            pl.BlockSpec((1, D), lambda i: (0, 0)),
        ],
        out_specs=pl.BlockSpec((_MLP_BLK, D), lambda i: (i, 0)),
        out_shape=jax.ShapeDtypeStruct((NPAD, D), jnp.float32),
    )(x, agg, w1, c1, w2, b2)


def _head_body(p_ref, w1_ref, c1_ref, w2_ref, b2_ref, o_ref):
    p = p_ref[0] + p_ref[1]
    h = jnp.dot(p, w1_ref[...], preferred_element_type=jnp.float32) + c1_ref[...]
    h = jnp.maximum(h, 0.0)
    o_ref[...] = jnp.dot(h, w2_ref[...], preferred_element_type=jnp.float32) + b2_ref[...]


def _head_tc(pool, w1, c1, w2, b2):
    return pl.pallas_call(
        _head_body,
        out_shape=jax.ShapeDtypeStruct((128, 1), jnp.float32),
    )(pool, w1, c1, w2, b2)


def kernel(x, edge_index, batch, params):
    rsq = jnp.float32(1.0) / jnp.sqrt(jnp.float32(1.0 + 1e-5))

    pad_e = EP - E
    src = jnp.concatenate(
        [edge_index[0], jnp.zeros((pad_e,), jnp.int32)]).reshape(EP // 128, 128)
    dst = jnp.concatenate(
        [edge_index[1], jnp.full((pad_e,), NPAD - 1, jnp.int32)]).reshape(EP // 128, 128)

    batch_p = jnp.concatenate(
        [batch, jnp.full((NPAD - N,), 127, jnp.int32)]).reshape(128, 80)

    h = jnp.concatenate([x, jnp.zeros((NPAD - N, D), jnp.float32)], axis=0)

    for l in range(3):
        p = params['conv%d' % l]
        g = p['gamma'] * rsq
        w1 = p['W1'] * g[None, :]
        c1 = (p['b1'] * g + p['beta']).reshape(1, D)
        agg = _agg_sc(h, src, dst).reshape(NC, NPAD, D)
        h = _mlp_tc(h, agg, w1, c1, p['W2'], p['b2'].reshape(1, D))

    pool = _pool_sc(h, batch_p).reshape(NC, 128, D)

    ph = params['lin0']
    gh = ph['gamma'] * rsq
    w1h = ph['W'] * gh[None, :]
    c1h = (ph['b'] * gh + ph['beta']).reshape(1, 64)
    out = _head_tc(pool, w1h, c1h, params['lin1']['W'],
                   params['lin1']['b'].reshape(1, 1))
    return out[:G]

# --- scband reference (transcript-rebuilt; emitter-appended) ---
"""Pipeline reference for scband-gin-9216999817920 (READ-ONLY COPY).

The authoritative reference and input builder live on the scoring server;
editing this copy changes nothing except your own understanding.
"""

import jax, jax.numpy as jnp
import numpy as np

N = 10000
E = 320000
D = 128
G = 64

def _init_linear(key, fan_in, fan_out):
    k1, k2 = jax.random.split(key)
    bound = 1.0 / np.sqrt(fan_in)
    W = jax.random.uniform(k1, (fan_in, fan_out), jnp.float32, -bound, bound)
    b = jax.random.uniform(k2, (fan_out,), jnp.float32, -bound, bound)
    return W, b

def setup_inputs(seed: int = 0):
    key = jax.random.key(seed)
    ks = jax.random.split(key, 16)
    x = jax.random.normal(ks[0], (N, D), jnp.float32)
    edge_index = jax.random.randint(ks[1], (2, E), 0, N, jnp.int32)
    batch = jnp.sort(jax.random.randint(ks[2], (N,), 0, G, jnp.int32))
    params = {}
    for l in range(3):
        W1, b1 = _init_linear(ks[3 + 2 * l], D, D)
        W2, b2 = _init_linear(ks[4 + 2 * l], D, D)
        params['conv%d' % l] = {'W1': W1, 'b1': b1,
                                'gamma': jnp.ones((D,), jnp.float32),
                                'beta': jnp.zeros((D,), jnp.float32),
                                'W2': W2, 'b2': b2}
    Wl1, bl1 = _init_linear(ks[10], D, 64)
    Wl2, bl2 = _init_linear(ks[11], 64, 1)
    params['lin0'] = {'W': Wl1, 'b': bl1,
                      'gamma': jnp.ones((64,), jnp.float32),
                      'beta': jnp.zeros((64,), jnp.float32)}
    params['lin1'] = {'W': Wl2, 'b': bl2}
    return {'x': x, 'edge_index': edge_index, 'batch': batch, 'params': params}

def _bn_eval(h, gamma, beta):
    # BatchNorm1d in eval mode with fresh running stats (mean=0, var=1)
    return h / jnp.sqrt(1.0 + 1e-5) * gamma + beta

def _gin_conv(x, edge_index, p):
    src = edge_index[0]
    dst = edge_index[1]
    # GINConv aggregation: sum of source-node features at destination nodes
    agg = jax.ops.segment_sum(jnp.take(x, src, axis=0), dst, num_segments=x.shape[0])
    h = x + agg  # (1 + eps) * x + sum, eps = 0 (PyG default)
    h = h @ p['W1'] + p['b1']
    h = _bn_eval(h, p['gamma'], p['beta'])
    h = jax.nn.relu(h)
    h = h @ p['W2'] + p['b2']
    h = jax.nn.relu(h)
    return h

def reference(x, edge_index, batch, params):
    for l in range(2):
        x = _gin_conv(x, edge_index, params['conv%d' % l])
        x = jax.nn.relu(x)
    x = _gin_conv(x, edge_index, params['conv2'])
    # global_add_pool over graph ids
    x = jax.ops.segment_sum(x, batch, num_segments=G)
    x = x @ params['lin0']['W'] + params['lin0']['b']
    x = _bn_eval(x, params['lin0']['gamma'], params['lin0']['beta'])
    # dropout is identity in eval mode
    x = jax.nn.relu(x)
    x = x @ params['lin1']['W'] + params['lin1']['b']
    return x

if __name__ == "__main__":
    import jax
    _d = setup_inputs()
    print(jax.jit(kernel)(*tuple(_d.values())))

</pallas_src>

<mosaic_0001>
#map = affine_map<(d0, d1) -> (0, 0)>
module attributes {stable_mosaic.version = 14 : i64} {
  func.func @_agg_sc(%arg0: i32, %arg1: i32, %arg2: memref<10240x128xf32, #tpu.memory_space<hbm>>, %arg3: memref<2560x128xi32, #tpu.memory_space<hbm>>, %arg4: memref<2560x128xi32, #tpu.memory_space<hbm>>, %arg5: memref<20480x128xf32, #tpu.memory_space<hbm>>, %arg6: memref<80x128xi32, #tpu.memory_space<vmem>>, %arg7: memref<80x128xi32, #tpu.memory_space<vmem>>, %arg8: memref<128x128xf32, #tpu.memory_space<vmem>>, %arg9: memref<10240x128xf32, #tpu.memory_space<vmem_shared>>, %arg10: memref<!tpu.dma_semaphore, #tpu.memory_space<semaphore_mem>>) attributes {dimension_semantics = [#tpu.dimension_semantics<core_parallel>, #tpu.dimension_semantics<subcore_parallel>], iteration_bounds = array<i64: 2, 16>, scalar_prefetch = 0 : i64, scratch_operands = 5 : i64, tpu.core_type = #tpu.core_type<sc_vector_subcore>, window_params = [{transform_indices = #map}, {transform_indices = #map}, {transform_indices = #map}, {transform_indices = #map}]} {
    %mul3A = arith.constant 16 : i32
    %mul3A_0 = arith.muli %arg0, %mul3A : i32
    %add3A = arith.addi %mul3A_0, %arg1 : i32
    %broadcast_in_dim3A = arith.constant 0.000000e+00 : f32
    %broadcast_in_dim3A_1 = vector.broadcast %broadcast_in_dim3A : f32 to vector<16xf32>
    %scan3A = arith.constant 0 : i32
    %scan3A_2 = arith.constant 0 : i32
    %scan3A_3 = arith.constant 128 : i32
    %scan3A_4 = arith.addi %scan3A_2, %scan3A_3 : i32
    %scan3A_5 = arith.constant 1 : i32
    %scan3A_6 = scf.for %scan3A_34 = %scan3A_2 to %scan3A_4 step %scan3A_5 iter_args(%scan3A_35 = %scan3A) -> (i32)  : i32 {
      %swap3A = arith.index_cast %scan3A_34 : i32 to index
      %swap3A_36 = arith.constant 0 : index
      %swap3A_37 = tpu.vector_load %arg8[%swap3A, %swap3A_36] {strides = array<i32>} : memref<128x128xf32, #tpu.memory_space<vmem>>, vector<1x16xf32>,
      %swap3A_38 = vector.shape_cast %swap3A_37 : vector<1x16xf32> to vector<16xf32>
      %swap3A_39 = vector.shape_cast %broadcast_in_dim3A_1 : vector<16xf32> to vector<1x16xf32>
      tpu.vector_store %arg8[%swap3A, %swap3A_36], %swap3A_39 {strides = array<i32>} : memref<128x128xf32, #tpu.memory_space<vmem>>, vector<1x16xf32>,
      %swap3A_40 = arith.index_cast %scan3A_34 : i32 to index
      %swap3A_41 = arith.constant 16 : index
      %swap3A_42 = tpu.vector_load %arg8[%swap3A_40, %swap3A_41] {strides = array<i32>} : memref<128x128xf32, #tpu.memory_space<vmem>>, vector<1x16xf32>,
      %swap3A_43 = vector.shape_cast %swap3A_42 : vector<1x16xf32> to vector<16xf32>
      %swap3A_44 = vector.shape_cast %broadcast_in_dim3A_1 : vector<16xf32> to vector<1x16xf32>
      tpu.vector_store %arg8[%swap3A_40, %swap3A_41], %swap3A_44 {strides = array<i32>} : memref<128x128xf32, #tpu.memory_space<vmem>>, vector<1x16xf32>,
      %swap3A_45 = arith.index_cast %scan3A_34 : i32 to index
      %swap3A_46 = arith.constant 32 : index
      %swap3A_47 = tpu.vector_load %arg8[%swap3A_45, %swap3A_46] {strides = array<i32>} : memref<128x128xf32, #tpu.memory_space<vmem>>, vector<1x16xf32>,
      %swap3A_48 = vector.shape_cast %swap3A_47 : vector<1x16xf32> to vector<16xf32>
      %swap3A_49 = vector.shape_cast %broadcast_in_dim3A_1 : vector<16xf32> to vector<1x16xf32>
      tpu.vector_store %arg8[%swap3A_45, %swap3A_46], %swap3A_49 {strides = array<i32>} : memref<128x128xf32, #tpu.memory_space<vmem>>, vector<1x16xf32>,
      %swap3A_50 = arith.index_cast %scan3A_34 : i32 to index
      %swap3A_51 = arith.constant 48 : index
      %swap3A_52 = tpu.vector_load %arg8[%swap3A_50, %swap3A_51] {strides = array<i32>} : memref<128x128xf32, #tpu.memory_space<vmem>>, vector<1x16xf32>,
      %swap3A_53 = vector.shape_cast %swap3A_52 : vector<1x16xf32> to vector<16xf32>
      %swap3A_54 = vector.shape_cast %broadcast_in_dim3A_1 : vector<16xf32> to vector<1x16xf32>
      tpu.vector_store %arg8[%swap3A_50, %swap3A_51], %swap3A_54 {strides = array<i32>} : memref<128x128xf32, #tpu.memory_space<vmem>>, vector<1x16xf32>,
      %swap3A_55 = arith.index_cast %scan3A_34 : i32 to index
      %swap3A_56 = arith.constant 64 : index
      %swap3A_57 = tpu.vector_load %arg8[%swap3A_55, %swap3A_56] {strides = array<i32>} : memref<128x128xf32, #tpu.memory_space<vmem>>, vector<1x16xf32>,
      %swap3A_58 = vector.shape_cast %swap3A_57 : vector<1x16xf32> to vector<16xf32>
      %swap3A_59 = vector.shape_cast %broadcast_in_dim3A_1 : vector<16xf32> to vector<1x16xf32>
      tpu.vector_store %arg8[%swap3A_55, %swap3A_56], %swap3A_59 {strides = array<i32>} : memref<128x128xf32, #tpu.memory_space<vmem>>, vector<1x16xf32>,
      %swap3A_60 = arith.index_cast %scan3A_34 : i32 to index
      %swap3A_61 = arith.constant 80 : index
      %swap3A_62 = tpu.vector_load %arg8[%swap3A_60, %swap3A_61] {strides = array<i32>} : memref<128x128xf32, #tpu.memory_space<vmem>>, vector<1x16xf32>,
      %swap3A_63 = vector.shape_cast %swap3A_62 : vector<1x16xf32> to vector<16xf32>
      %swap3A_64 = vector.shape_cast %broadcast_in_dim3A_1 : vector<16xf32> to vector<1x16xf32>
      tpu.vector_store %arg8[%swap3A_60, %swap3A_61], %swap3A_64 {strides = array<i32>} : memref<128x128xf32, #tpu.memory_space<vmem>>, vector<1x16xf32>,
      %swap3A_65 = arith.index_cast %scan3A_34 : i32 to index
      %swap3A_66 = arith.constant 96 : index
      %swap3A_67 = tpu.vector_load %arg8[%swap3A_65, %swap3A_66] {strides = array<i32>} : memref<128x128xf32, #tpu.memory_space<vmem>>, vector<1x16xf32>,
      %swap3A_68 = vector.shape_cast %swap3A_67 : vector<1x16xf32> to vector<16xf32>
      %swap3A_69 = vector.shape_cast %broadcast_in_dim3A_1 : vector<16xf32> to vector<1x16xf32>
      tpu.vector_store %arg8[%swap3A_65, %swap3A_66], %swap3A_69 {strides = array<i32>} : memref<128x128xf32, #tpu.memory_space<vmem>>, vector<1x16xf32>,
      %swap3A_70 = arith.index_cast %scan3A_34 : i32 to index
      %swap3A_71 = arith.constant 112 : index
      %swap3A_72 = tpu.vector_load %arg8[%swap3A_70, %swap3A_71] {strides = array<i32>} : memref<128x128xf32, #tpu.memory_space<vmem>>, vector<1x16xf32>,
      %swap3A_73 = vector.shape_cast %swap3A_72 : vector<1x16xf32> to vector<16xf32>
      %swap3A_74 = vector.shape_cast %broadcast_in_dim3A_1 : vector<16xf32> to vector<1x16xf32>
      tpu.vector_store %arg8[%swap3A_70, %swap3A_71], %swap3A_74 {strides = array<i32>} : memref<128x128xf32, #tpu.memory_space<vmem>>, vector<1x16xf32>,
      %scan3A_75 = arith.constant 0 : i32
      scf.yield %scan3A_75 : i32
    }
    %scan3A_7 = arith.constant 128 : i32
    %scan3A_8 = arith.constant 0 : i32
    %scan3A_9 = arith.constant 0 : i32
    %scan3A_10 = arith.constant 5 : i32
    %scan3A_11 = arith.addi %scan3A_9, %scan3A_10 : i32
    %scan3A_12 = arith.constant 1 : i32
    %scan3A_13 = scf.for %scan3A_34 = %scan3A_9 to %scan3A_11 step %scan3A_12 iter_args(%scan3A_35 = %scan3A_8) -> (i32)  : i32 {
      %mul3A_36 = arith.constant 5 : i32
      %mul3A_37 = arith.muli %arg1, %mul3A_36 : i32
      %add3A_38 = arith.addi %mul3A_37, %scan3A_34 : i32
      %mul3A_39 = arith.constant 128 : i32
      %mul3A_40 = arith.muli %add3A_38, %mul3A_39 : i32
      "tpu.region"() ({
        %run_scoped3A = tpu.sem_alloc : memref<!tpu.dma_semaphore, #tpu.memory_space<semaphore_mem>>
        %dma_start3A = arith.constant 0 : i32
        %dma_start3A_42 = tpu.memref_slice %arg9[%mul3A_40, %dma_start3A] : memref<10240x128xf32, #tpu.memory_space<vmem_shared>> -> memref<128x128xf32, #tpu.memory_space<vmem_shared>>
        %dma_start3A_43 = arith.constant 0 : i32
        %dma_start3A_44 = tpu.memref_slice %arg9[%mul3A_40, %dma_start3A_43] : memref<10240x128xf32, #tpu.memory_space<vmem_shared>> -> memref<128x128xf32, #tpu.memory_space<vmem_shared>>
        tpu.enqueue_dma source(%arg8 : memref<128x128xf32, #tpu.memory_space<vmem>>) target(%dma_start3A_44 : memref<128x128xf32, #tpu.memory_space<vmem_shared>>) target_semaphore(%run_scoped3A : memref<!tpu.dma_semaphore, #tpu.memory_space<semaphore_mem>>)
        %dma_wait3A = arith.constant 0 : i32
        %dma_wait3A_45 = tpu.memref_slice %arg9[%mul3A_40, %dma_wait3A] : memref<10240x128xf32, #tpu.memory_space<vmem_shared>> -> memref<128x128xf32, #tpu.memory_space<vmem_shared>>
        %dma_wait3A_46 = arith.constant 0 : i32
        %dma_wait3A_47 = tpu.memref_slice %arg9[%mul3A_40, %dma_wait3A_46] : memref<10240x128xf32, #tpu.memory_space<vmem_shared>> -> memref<128x128xf32, #tpu.memory_space<vmem_shared>>
        tpu.wait_dma2 semaphore(%run_scoped3A : memref<!tpu.dma_semaphore, #tpu.memory_space<semaphore_mem>>) src(%arg8 : memref<128x128xf32, #tpu.memory_space<vmem>>) dst(%dma_wait3A_47 : memref<128x128xf32, #tpu.memory_space<vmem_shared>>)
        tpu.yield
      }) : () -> ()
      %scan3A_41 = arith.constant 0 : i32
      scf.yield %scan3A_41 : i32
    }
    %scan3A_14 = arith.constant 5 : i32
    %mul3A_15 = arith.constant 80 : i32
    %mul3A_16 = arith.muli %add3A, %mul3A_15 : i32
    "tpu.region"() ({
      %run_scoped3A = tpu.sem_alloc : memref<!tpu.dma_semaphore, #tpu.memory_space<semaphore_mem>>
      %dma_start3A = arith.constant 0 : i32
      %dma_start3A_34 = tpu.memref_slice %arg3[%mul3A_16, %dma_start3A] : memref<2560x128xi32, #tpu.memory_space<hbm>> -> memref<80x128xi32, #tpu.memory_space<hbm>>
      %dma_start3A_35 = arith.constant 0 : i32
      %dma_start3A_36 = tpu.memref_slice %arg3[%mul3A_16, %dma_start3A_35] : memref<2560x128xi32, #tpu.memory_space<hbm>> -> memref<80x128xi32, #tpu.memory_space<hbm>>
      tpu.enqueue_dma source(%dma_start3A_36 : memref<80x128xi32, #tpu.memory_space<hbm>>) target(%arg6 : memref<80x128xi32, #tpu.memory_space<vmem>>) target_semaphore(%run_scoped3A : memref<!tpu.dma_semaphore, #tpu.memory_space<semaphore_mem>>)
      %dma_wait3A = arith.constant 0 : i32
      %dma_wait3A_37 = tpu.memref_slice %arg3[%mul3A_16, %dma_wait3A] : memref<2560x128xi32, #tpu.memory_space<hbm>> -> memref<80x128xi32, #tpu.memory_space<hbm>>
      %dma_wait3A_38 = arith.constant 0 : i32
      %dma_wait3A_39 = tpu.memref_slice %arg3[%mul3A_16, %dma_wait3A_38] : memref<2560x128xi32, #tpu.memory_space<hbm>> -> memref<80x128xi32, #tpu.memory_space<hbm>>
      tpu.wait_dma2 semaphore(%run_scoped3A : memref<!tpu.dma_semaphore, #tpu.memory_space<semaphore_mem>>) src(%dma_wait3A_39 : memref<80x128xi32, #tpu.memory_space<hbm>>) dst(%arg6 : memref<80x128xi32, #tpu.memory_space<vmem>>)
      tpu.yield
    }) : () -> ()
    %mul3A_17 = arith.constant 80 : i32
    %mul3A_18 = arith.muli %add3A, %mul3A_17 : i32
    "tpu.region"() ({
      %run_scoped3A = tpu.sem_alloc : memref<!tpu.dma_semaphore, #tpu.memory_space<semaphore_mem>>
      %dma_start3A = arith.constant 0 : i32
      %dma_start3A_34 = tpu.memref_slice %arg4[%mul3A_18, %dma_start3A] : memref<2560x128xi32, #tpu.memory_space<hbm>> -> memref<80x128xi32, #tpu.memory_space<hbm>>
      %dma_start3A_35 = arith.constant 0 : i32
      %dma_start3A_36 = tpu.memref_slice %arg4[%mul3A_18, %dma_start3A_35] : memref<2560x128xi32, #tpu.memory_space<hbm>> -> memref<80x128xi32, #tpu.memory_space<hbm>>
      tpu.enqueue_dma source(%dma_start3A_36 : memref<80x128xi32, #tpu.memory_space<hbm>>) target(%arg7 : memref<80x128xi32, #tpu.memory_space<vmem>>) target_semaphore(%run_scoped3A : memref<!tpu.dma_semaphore, #tpu.memory_space<semaphore_mem>>)
      %dma_wait3A = arith.constant 0 : i32
      %dma_wait3A_37 = tpu.memref_slice %arg4[%mul3A_18, %dma_wait3A] : memref<2560x128xi32, #tpu.memory_space<hbm>> -> memref<80x128xi32, #tpu.memory_space<hbm>>
      %dma_wait3A_38 = arith.constant 0 : i32
      %dma_wait3A_39 = tpu.memref_slice %arg4[%mul3A_18, %dma_wait3A_38] : memref<2560x128xi32, #tpu.memory_space<hbm>> -> memref<80x128xi32, #tpu.memory_space<hbm>>
      tpu.wait_dma2 semaphore(%run_scoped3A : memref<!tpu.dma_semaphore, #tpu.memory_space<semaphore_mem>>) src(%dma_wait3A_39 : memref<80x128xi32, #tpu.memory_space<hbm>>) dst(%arg7 : memref<80x128xi32, #tpu.memory_space<vmem>>)
      tpu.yield
    }) : () -> ()
    %barrier3A = arith.constant 0 : index
    tpu.barrier barrier_id(%barrier3A)
    %scan3A_19 = arith.constant 0 : i32
    %scan3A_20 = arith.constant 0 : i32
    %scan3A_21 = arith.constant 80 : i32
    %scan3A_22 = arith.addi %scan3A_20, %scan3A_21 : i32
    %scan3A_23 = arith.constant 1 : i32
    %scan3A_24 = scf.for %scan3A_34 = %scan3A_20 to %scan3A_22 step %scan3A_23 iter_args(%scan3A_35 = %scan3A_19) -> (i32)  : i32 {
      %dma_start3A = arith.constant 0 : i32
      %dma_start3A_36 = tpu.memref_slice %arg6[%scan3A_34, %dma_start3A] : memref<80x128xi32, #tpu.memory_space<vmem>> -> memref<1x128xi32, #tpu.memory_space<vmem>>
      %dma_start3A_37 = tpu.memref_squeeze %dma_start3A_36 : memref<1x128xi32, #tpu.memory_space<vmem>> -> memref<128xi32, #tpu.memory_space<vmem>>
      %dma_start3A_38 = arith.constant 0 : i32
      %dma_start3A_39 = arith.constant 0 : i32
      %dma_start3A_40 = tpu.memref_slice %arg2[%dma_start3A_38, %dma_start3A_39] : memref<10240x128xf32, #tpu.memory_space<hbm>> -> memref<10240x128xf32, #tpu.memory_space<hbm>>
      tpu.enqueue_indirect_dma source(%dma_start3A_40 : memref<10240x128xf32, #tpu.memory_space<hbm>>) target(%arg8 : memref<128x128xf32, #tpu.memory_space<vmem>>) offsets(%dma_start3A_37 : memref<128xi32, #tpu.memory_space<vmem>>) semaphore(%arg10 : memref<!tpu.dma_semaphore, #tpu.memory_space<semaphore_mem>>)
      %dma_wait3A = arith.constant 0 : i32
      %dma_wait3A_41 = tpu.memref_slice %arg6[%scan3A_34, %dma_wait3A] : memref<80x128xi32, #tpu.memory_space<vmem>> -> memref<1x128xi32, #tpu.memory_space<vmem>>
      %dma_wait3A_42 = tpu.memref_squeeze %dma_wait3A_41 : memref<1x128xi32, #tpu.memory_space<vmem>> -> memref<128xi32, #tpu.memory_space<vmem>>
      %dma_wait3A_43 = arith.constant 0 : i32
      %dma_wait3A_44 = arith.constant 0 : i32
      %dma_wait3A_45 = tpu.memref_slice %arg2[%dma_wait3A_43, %dma_wait3A_44] : memref<10240x128xf32, #tpu.memory_space<hbm>> -> memref<10240x128xf32, #tpu.memory_space<hbm>>
      tpu.wait_indirect_dma semaphore(%arg10 : memref<!tpu.dma_semaphore, #tpu.memory_space<semaphore_mem>>) src(%dma_wait3A_45 : memref<10240x128xf32, #tpu.memory_space<hbm>>) dst(%arg8 : memref<128x128xf32, #tpu.memory_space<vmem>>)
      "tpu.region"() ({
        %run_scoped3A = tpu.sem_alloc : memref<!tpu.dma_semaphore, #tpu.memory_space<semaphore_mem>>
        %dma_start3A_47 = arith.constant 0 : i32
        %dma_start3A_48 = tpu.memref_slice %arg7[%scan3A_34, %dma_start3A_47] : memref<80x128xi32, #tpu.memory_space<vmem>> -> memref<1x128xi32, #tpu.memory_space<vmem>>
        %dma_start3A_49 = tpu.memref_squeeze %dma_start3A_48 : memref<1x128xi32, #tpu.memory_space<vmem>> -> memref<128xi32, #tpu.memory_space<vmem>>
        %dma_start3A_50 = arith.constant 0 : i32
        %dma_start3A_51 = arith.constant 0 : i32
        %dma_start3A_52 = tpu.memref_slice %arg9[%dma_start3A_50, %dma_start3A_51] : memref<10240x128xf32, #tpu.memory_space<vmem_shared>> -> memref<10240x128xf32, #tpu.memory_space<vmem_shared>>
        tpu.enqueue_indirect_dma source(%arg8 : memref<128x128xf32, #tpu.memory_space<vmem>>) target(%dma_start3A_52 : memref<10240x128xf32, #tpu.memory_space<vmem_shared>>) offsets(%dma_start3A_49 : memref<128xi32, #tpu.memory_space<vmem>>) semaphore(%run_scoped3A : memref<!tpu.dma_semaphore, #tpu.memory_space<semaphore_mem>>) {add = true}
        %dma_wait3A_53 = arith.constant 0 : i32
        %dma_wait3A_54 = tpu.memref_slice %arg7[%scan3A_34, %dma_wait3A_53] : memref<80x128xi32, #tpu.memory_space<vmem>> -> memref<1x128xi32, #tpu.memory_space<vmem>>
        %dma_wait3A_55 = tpu.memref_squeeze %dma_wait3A_54 : memref<1x128xi32, #tpu.memory_space<vmem>> -> memref<128xi32, #tpu.memory_space<vmem>>
        %dma_wait3A_56 = arith.constant 0 : i32
        %dma_wait3A_57 = arith.constant 0 : i32
        %dma_wait3A_58 = tpu.memref_slice %arg9[%dma_wait3A_56, %dma_wait3A_57] : memref<10240x128xf32, #tpu.memory_space<vmem_shared>> -> memref<10240x128xf32, #tpu.memory_space<vmem_shared>>
        tpu.wait_indirect_dma semaphore(%run_scoped3A : memref<!tpu.dma_semaphore, #tpu.memory_space<semaphore_mem>>) src(%arg8 : memref<128x128xf32, #tpu.memory_space<vmem>>) dst(%dma_wait3A_58 : memref<10240x128xf32, #tpu.memory_space<vmem_shared>>)
        tpu.yield
      }) : () -> ()
      %scan3A_46 = arith.constant 0 : i32
      scf.yield %scan3A_46 : i32
    }
    %scan3A_25 = arith.constant 80 : i32
    %barrier3A_26 = arith.constant 0 : index
    tpu.barrier barrier_id(%barrier3A_26)
    %scan3A_27 = arith.constant 0 : i32
    %scan3A_28 = arith.constant 0 : i32
    %scan3A_29 = arith.constant 5 : i32
    %scan3A_30 = arith.addi %scan3A_28, %scan3A_29 : i32
    %scan3A_31 = arith.constant 1 : i32
    %scan3A_32 = scf.for %scan3A_34 = %scan3A_28 to %scan3A_30 step %scan3A_31 iter_args(%scan3A_35 = %scan3A_27) -> (i32)  : i32 {
      %mul3A_36 = arith.constant 5 : i32
      %mul3A_37 = arith.muli %arg1, %mul3A_36 : i32
      %add3A_38 = arith.addi %mul3A_37, %scan3A_34 : i32
      %mul3A_39 = arith.constant 128 : i32
      %mul3A_40 = arith.muli %add3A_38, %mul3A_39 : i32
      %mul3A_41 = arith.constant 10240 : i32
      %mul3A_42 = arith.muli %arg0, %mul3A_41 : i32
      %add3A_43 = arith.addi %mul3A_42, %mul3A_40 : i32
      "tpu.region"() ({
        %run_scoped3A = tpu.sem_alloc : memref<!tpu.dma_semaphore, #tpu.memory_space<semaphore_mem>>
        %dma_start3A = arith.constant 0 : i32
        %dma_start3A_45 = tpu.memref_slice %arg5[%add3A_43, %dma_start3A] : memref<20480x128xf32, #tpu.memory_space<hbm>> -> memref<128x128xf32, #tpu.memory_space<hbm>>
        %dma_start3A_46 = arith.constant 0 : i32
        %dma_start3A_47 = tpu.memref_slice %arg9[%mul3A_40, %dma_start3A_46] : memref<10240x128xf32, #tpu.memory_space<vmem_shared>> -> memref<128x128xf32, #tpu.memory_space<vmem_shared>>
        tpu.enqueue_dma source(%dma_start3A_47 : memref<128x128xf32, #tpu.memory_space<vmem_shared>>) target(%dma_start3A_45 : memref<128x128xf32, #tpu.memory_space<hbm>>) target_semaphore(%run_scoped3A : memref<!tpu.dma_semaphore, #tpu.memory_space<semaphore_mem>>)
        %dma_wait3A = arith.constant 0 : i32
        %dma_wait3A_48 = tpu.memref_slice %arg5[%add3A_43, %dma_wait3A] : memref<20480x128xf32, #tpu.memory_space<hbm>> -> memref<128x128xf32, #tpu.memory_space<hbm>>
        %dma_wait3A_49 = arith.constant 0 : i32
        %dma_wait3A_50 = tpu.memref_slice %arg9[%mul3A_40, %dma_wait3A_49] : memref<10240x128xf32, #tpu.memory_space<vmem_shared>> -> memref<128x128xf32, #tpu.memory_space<vmem_shared>>
        tpu.wait_dma2 semaphore(%run_scoped3A : memref<!tpu.dma_semaphore, #tpu.memory_space<semaphore_mem>>) src(%dma_wait3A_50 : memref<128x128xf32, #tpu.memory_space<vmem_shared>>) dst(%dma_wait3A_48 : memref<128x128xf32, #tpu.memory_space<hbm>>)
        tpu.yield
      }) : () -> ()
      %scan3A_44 = arith.constant 0 : i32
      scf.yield %scan3A_44 : i32
    }
    %scan3A_33 = arith.constant 5 : i32
    return
  }
}

#map = affine_map<(d0, d1) -> (0, 0)>
module attributes {stable_mosaic.version = 14 : i64} {
  func.func @_agg_sc(%arg0: i32, %arg1: i32, %arg2: memref<10240x128xf32, #tpu.memory_space<hbm>>, %arg3: memref<2560x128xi32, #tpu.memory_space<hbm>>, %arg4: memref<2560x128xi32, #tpu.memory_space<hbm>>, %arg5: memref<20480x128xf32, #tpu.memory_space<hbm>>, %arg6: memref<80x128xi32, #tpu.memory_space<vmem>>, %arg7: memref<80x128xi32, #tpu.memory_space<vmem>>, %arg8: memref<128x128xf32, #tpu.memory_space<vmem>>, %arg9: memref<10240x128xf32, #tpu.memory_space<vmem_shared>>, %arg10: memref<!tpu.dma_semaphore, #tpu.memory_space<semaphore_mem>>) attributes {dimension_semantics = [#tpu.dimension_semantics<core_parallel>, #tpu.dimension_semantics<subcore_parallel>], iteration_bounds = array<i64: 2, 16>, scalar_prefetch = 0 : i64, scratch_operands = 5 : i64, tpu.core_type = #tpu.core_type<sc_vector_subcore>, window_params = [{transform_indices = #map}, {transform_indices = #map}, {transform_indices = #map}, {transform_indices = #map}]} {
    %mul3A = arith.constant 16 : i32
    %mul3A_0 = arith.muli %arg0, %mul3A : i32
    %add3A = arith.addi %mul3A_0, %arg1 : i32
    %broadcast_in_dim3A = arith.constant 0.000000e+00 : f32
    %broadcast_in_dim3A_1 = vector.broadcast %broadcast_in_dim3A : f32 to vector<16xf32>
    %scan3A = arith.constant 0 : i32
    %scan3A_2 = arith.constant 0 : i32
    %scan3A_3 = arith.constant 128 : i32
    %scan3A_4 = arith.addi %scan3A_2, %scan3A_3 : i32
    %scan3A_5 = arith.constant 1 : i32
    %scan3A_6 = scf.for %scan3A_34 = %scan3A_2 to %scan3A_4 step %scan3A_5 iter_args(%scan3A_35 = %scan3A) -> (i32)  : i32 {
      %swap3A = arith.index_cast %scan3A_34 : i32 to index
      %swap3A_36 = arith.constant 0 : index
      %swap3A_37 = tpu.vector_load %arg8[%swap3A, %swap3A_36] {strides = array<i32>} : memref<128x128xf32, #tpu.memory_space<vmem>>, vector<1x16xf32>,
      %swap3A_38 = vector.shape_cast %swap3A_37 : vector<1x16xf32> to vector<16xf32>
      %swap3A_39 = vector.shape_cast %broadcast_in_dim3A_1 : vector<16xf32> to vector<1x16xf32>
      tpu.vector_store %arg8[%swap3A, %swap3A_36], %swap3A_39 {strides = array<i32>} : memref<128x128xf32, #tpu.memory_space<vmem>>, vector<1x16xf32>,
      %swap3A_40 = arith.index_cast %scan3A_34 : i32 to index
      %swap3A_41 = arith.constant 16 : index
      %swap3A_42 = tpu.vector_load %arg8[%swap3A_40, %swap3A_41] {strides = array<i32>} : memref<128x128xf32, #tpu.memory_space<vmem>>, vector<1x16xf32>,
      %swap3A_43 = vector.shape_cast %swap3A_42 : vector<1x16xf32> to vector<16xf32>
      %swap3A_44 = vector.shape_cast %broadcast_in_dim3A_1 : vector<16xf32> to vector<1x16xf32>
      tpu.vector_store %arg8[%swap3A_40, %swap3A_41], %swap3A_44 {strides = array<i32>} : memref<128x128xf32, #tpu.memory_space<vmem>>, vector<1x16xf32>,
      %swap3A_45 = arith.index_cast %scan3A_34 : i32 to index
      %swap3A_46 = arith.constant 32 : index
      %swap3A_47 = tpu.vector_load %arg8[%swap3A_45, %swap3A_46] {strides = array<i32>} : memref<128x128xf32, #tpu.memory_space<vmem>>, vector<1x16xf32>,
      %swap3A_48 = vector.shape_cast %swap3A_47 : vector<1x16xf32> to vector<16xf32>
      %swap3A_49 = vector.shape_cast %broadcast_in_dim3A_1 : vector<16xf32> to vector<1x16xf32>
      tpu.vector_store %arg8[%swap3A_45, %swap3A_46], %swap3A_49 {strides = array<i32>} : memref<128x128xf32, #tpu.memory_space<vmem>>, vector<1x16xf32>,
      %swap3A_50 = arith.index_cast %scan3A_34 : i32 to index
      %swap3A_51 = arith.constant 48 : index
      %swap3A_52 = tpu.vector_load %arg8[%swap3A_50, %swap3A_51] {strides = array<i32>} : memref<128x128xf32, #tpu.memory_space<vmem>>, vector<1x16xf32>,
      %swap3A_53 = vector.shape_cast %swap3A_52 : vector<1x16xf32> to vector<16xf32>
      %swap3A_54 = vector.shape_cast %broadcast_in_dim3A_1 : vector<16xf32> to vector<1x16xf32>
      tpu.vector_store %arg8[%swap3A_50, %swap3A_51], %swap3A_54 {strides = array<i32>} : memref<128x128xf32, #tpu.memory_space<vmem>>, vector<1x16xf32>,
      %swap3A_55 = arith.index_cast %scan3A_34 : i32 to index
      %swap3A_56 = arith.constant 64 : index
      %swap3A_57 = tpu.vector_load %arg8[%swap3A_55, %swap3A_56] {strides = array<i32>} : memref<128x128xf32, #tpu.memory_space<vmem>>, vector<1x16xf32>,
      %swap3A_58 = vector.shape_cast %swap3A_57 : vector<1x16xf32> to vector<16xf32>
      %swap3A_59 = vector.shape_cast %broadcast_in_dim3A_1 : vector<16xf32> to vector<1x16xf32>
      tpu.vector_store %arg8[%swap3A_55, %swap3A_56], %swap3A_59 {strides = array<i32>} : memref<128x128xf32, #tpu.memory_space<vmem>>, vector<1x16xf32>,
      %swap3A_60 = arith.index_cast %scan3A_34 : i32 to index
      %swap3A_61 = arith.constant 80 : index
      %swap3A_62 = tpu.vector_load %arg8[%swap3A_60, %swap3A_61] {strides = array<i32>} : memref<128x128xf32, #tpu.memory_space<vmem>>, vector<1x16xf32>,
      %swap3A_63 = vector.shape_cast %swap3A_62 : vector<1x16xf32> to vector<16xf32>
      %swap3A_64 = vector.shape_cast %broadcast_in_dim3A_1 : vector<16xf32> to vector<1x16xf32>
      tpu.vector_store %arg8[%swap3A_60, %swap3A_61], %swap3A_64 {strides = array<i32>} : memref<128x128xf32, #tpu.memory_space<vmem>>, vector<1x16xf32>,
      %swap3A_65 = arith.index_cast %scan3A_34 : i32 to index
      %swap3A_66 = arith.constant 96 : index
      %swap3A_67 = tpu.vector_load %arg8[%swap3A_65, %swap3A_66] {strides = array<i32>} : memref<128x128xf32, #tpu.memory_space<vmem>>, vector<1x16xf32>,
      %swap3A_68 = vector.shape_cast %swap3A_67 : vector<1x16xf32> to vector<16xf32>
      %swap3A_69 = vector.shape_cast %broadcast_in_dim3A_1 : vector<16xf32> to vector<1x16xf32>
      tpu.vector_store %arg8[%swap3A_65, %swap3A_66], %swap3A_69 {strides = array<i32>} : memref<128x128xf32, #tpu.memory_space<vmem>>, vector<1x16xf32>,
      %swap3A_70 = arith.index_cast %scan3A_34 : i32 to index
      %swap3A_71 = arith.constant 112 : index
      %swap3A_72 = tpu.vector_load %arg8[%swap3A_70, %swap3A_71] {strides = array<i32>} : memref<128x128xf32, #tpu.memory_space<vmem>>, vector<1x16xf32>,
      %swap3A_73 = vector.shape_cast %swap3A_72 : vector<1x16xf32> to vector<16xf32>
      %swap3A_74 = vector.shape_cast %broadcast_in_dim3A_1 : vector<16xf32> to vector<1x16xf32>
      tpu.vector_store %arg8[%swap3A_70, %swap3A_71], %swap3A_74 {strides = array<i32>} : memref<128x128xf32, #tpu.memory_space<vmem>>, vector<1x16xf32>,
      %scan3A_75 = arith.constant 0 : i32
      scf.yield %scan3A_75 : i32
    }
    %scan3A_7 = arith.constant 128 : i32
    %scan3A_8 = arith.constant 0 : i32
    %scan3A_9 = arith.constant 0 : i32
    %scan3A_10 = arith.constant 5 : i32
    %scan3A_11 = arith.addi %scan3A_9, %scan3A_10 : i32
    %scan3A_12 = arith.constant 1 : i32
    %scan3A_13 = scf.for %scan3A_34 = %scan3A_9 to %scan3A_11 step %scan3A_12 iter_args(%scan3A_35 = %scan3A_8) -> (i32)  : i32 {
      %mul3A_36 = arith.constant 5 : i32
      %mul3A_37 = arith.muli %arg1, %mul3A_36 : i32
      %add3A_38 = arith.addi %mul3A_37, %scan3A_34 : i32
      %mul3A_39 = arith.constant 128 : i32
      %mul3A_40 = arith.muli %add3A_38, %mul3A_39 : i32
      "tpu.region"() ({
        %run_scoped3A = tpu.sem_alloc : memref<!tpu.dma_semaphore, #tpu.memory_space<semaphore_mem>>
        %dma_start3A = arith.constant 0 : i32
        %dma_start3A_42 = tpu.memref_slice %arg9[%mul3A_40, %dma_start3A] : memref<10240x128xf32, #tpu.memory_space<vmem_shared>> -> memref<128x128xf32, #tpu.memory_space<vmem_shared>>
        %dma_start3A_43 = arith.constant 0 : i32
        %dma_start3A_44 = tpu.memref_slice %arg9[%mul3A_40, %dma_start3A_43] : memref<10240x128xf32, #tpu.memory_space<vmem_shared>> -> memref<128x128xf32, #tpu.memory_space<vmem_shared>>
        tpu.enqueue_dma source(%arg8 : memref<128x128xf32, #tpu.memory_space<vmem>>) target(%dma_start3A_44 : memref<128x128xf32, #tpu.memory_space<vmem_shared>>) target_semaphore(%run_scoped3A : memref<!tpu.dma_semaphore, #tpu.memory_space<semaphore_mem>>)
        %dma_wait3A = arith.constant 0 : i32
        %dma_wait3A_45 = tpu.memref_slice %arg9[%mul3A_40, %dma_wait3A] : memref<10240x128xf32, #tpu.memory_space<vmem_shared>> -> memref<128x128xf32, #tpu.memory_space<vmem_shared>>
        %dma_wait3A_46 = arith.constant 0 : i32
        %dma_wait3A_47 = tpu.memref_slice %arg9[%mul3A_40, %dma_wait3A_46] : memref<10240x128xf32, #tpu.memory_space<vmem_shared>> -> memref<128x128xf32, #tpu.memory_space<vmem_shared>>
        tpu.wait_dma2 semaphore(%run_scoped3A : memref<!tpu.dma_semaphore, #tpu.memory_space<semaphore_mem>>) src(%arg8 : memref<128x128xf32, #tpu.memory_space<vmem>>) dst(%dma_wait3A_47 : memref<128x128xf32, #tpu.memory_space<vmem_shared>>)
        tpu.yield
      }) : () -> ()
      %scan3A_41 = arith.constant 0 : i32
      scf.yield %scan3A_41 : i32
    }
    %scan3A_14 = arith.constant 5 : i32
    %mul3A_15 = arith.constant 80 : i32
    %mul3A_16 = arith.muli %add3A, %mul3A_15 : i32
    "tpu.region"() ({
      %run_scoped3A = tpu.sem_alloc : memref<!tpu.dma_semaphore, #tpu.memory_space<semaphore_mem>>
      %dma_start3A = arith.constant 0 : i32
      %dma_start3A_34 = tpu.memref_slice %arg3[%mul3A_16, %dma_start3A] : memref<2560x128xi32, #tpu.memory_space<hbm>> -> memref<80x128xi32, #tpu.memory_space<hbm>>
      %dma_start3A_35 = arith.constant 0 : i32
      %dma_start3A_36 = tpu.memref_slice %arg3[%mul3A_16, %dma_start3A_35] : memref<2560x128xi32, #tpu.memory_space<hbm>> -> memref<80x128xi32, #tpu.memory_space<hbm>>
      tpu.enqueue_dma source(%dma_start3A_36 : memref<80x128xi32, #tpu.memory_space<hbm>>) target(%arg6 : memref<80x128xi32, #tpu.memory_space<vmem>>) target_semaphore(%run_scoped3A : memref<!tpu.dma_semaphore, #tpu.memory_space<semaphore_mem>>)
      %dma_wait3A = arith.constant 0 : i32
      %dma_wait3A_37 = tpu.memref_slice %arg3[%mul3A_16, %dma_wait3A] : memref<2560x128xi32, #tpu.memory_space<hbm>> -> memref<80x128xi32, #tpu.memory_space<hbm>>
      %dma_wait3A_38 = arith.constant 0 : i32
      %dma_wait3A_39 = tpu.memref_slice %arg3[%mul3A_16, %dma_wait3A_38] : memref<2560x128xi32, #tpu.memory_space<hbm>> -> memref<80x128xi32, #tpu.memory_space<hbm>>
      tpu.wait_dma2 semaphore(%run_scoped3A : memref<!tpu.dma_semaphore, #tpu.memory_space<semaphore_mem>>) src(%dma_wait3A_39 : memref<80x128xi32, #tpu.memory_space<hbm>>) dst(%arg6 : memref<80x128xi32, #tpu.memory_space<vmem>>)
      tpu.yield
    }) : () -> ()
    %mul3A_17 = arith.constant 80 : i32
    %mul3A_18 = arith.muli %add3A, %mul3A_17 : i32
    "tpu.region"() ({
      %run_scoped3A = tpu.sem_alloc : memref<!tpu.dma_semaphore, #tpu.memory_space<semaphore_mem>>
      %dma_start3A = arith.constant 0 : i32
      %dma_start3A_34 = tpu.memref_slice %arg4[%mul3A_18, %dma_start3A] : memref<2560x128xi32, #tpu.memory_space<hbm>> -> memref<80x128xi32, #tpu.memory_space<hbm>>
      %dma_start3A_35 = arith.constant 0 : i32
      %dma_start3A_36 = tpu.memref_slice %arg4[%mul3A_18, %dma_start3A_35] : memref<2560x128xi32, #tpu.memory_space<hbm>> -> memref<80x128xi32, #tpu.memory_space<hbm>>
      tpu.enqueue_dma source(%dma_start3A_36 : memref<80x128xi32, #tpu.memory_space<hbm>>) target(%arg7 : memref<80x128xi32, #tpu.memory_space<vmem>>) target_semaphore(%run_scoped3A : memref<!tpu.dma_semaphore, #tpu.memory_space<semaphore_mem>>)
      %dma_wait3A = arith.constant 0 : i32
      %dma_wait3A_37 = tpu.memref_slice %arg4[%mul3A_18, %dma_wait3A] : memref<2560x128xi32, #tpu.memory_space<hbm>> -> memref<80x128xi32, #tpu.memory_space<hbm>>
      %dma_wait3A_38 = arith.constant 0 : i32
      %dma_wait3A_39 = tpu.memref_slice %arg4[%mul3A_18, %dma_wait3A_38] : memref<2560x128xi32, #tpu.memory_space<hbm>> -> memref<80x128xi32, #tpu.memory_space<hbm>>
      tpu.wait_dma2 semaphore(%run_scoped3A : memref<!tpu.dma_semaphore, #tpu.memory_space<semaphore_mem>>) src(%dma_wait3A_39 : memref<80x128xi32, #tpu.memory_space<hbm>>) dst(%arg7 : memref<80x128xi32, #tpu.memory_space<vmem>>)
      tpu.yield
    }) : () -> ()
    %barrier3A = arith.constant 0 : index
    tpu.barrier barrier_id(%barrier3A)
    %scan3A_19 = arith.constant 0 : i32
    %scan3A_20 = arith.constant 0 : i32
    %scan3A_21 = arith.constant 80 : i32
    %scan3A_22 = arith.addi %scan3A_20, %scan3A_21 : i32
    %scan3A_23 = arith.constant 1 : i32
    %scan3A_24 = scf.for %scan3A_34 = %scan3A_20 to %scan3A_22 step %scan3A_23 iter_args(%scan3A_35 = %scan3A_19) -> (i32)  : i32 {
      %dma_start3A = arith.constant 0 : i32
      %dma_start3A_36 = tpu.memref_slice %arg6[%scan3A_34, %dma_start3A] : memref<80x128xi32, #tpu.memory_space<vmem>> -> memref<1x128xi32, #tpu.memory_space<vmem>>
      %dma_start3A_37 = tpu.memref_squeeze %dma_start3A_36 : memref<1x128xi32, #tpu.memory_space<vmem>> -> memref<128xi32, #tpu.memory_space<vmem>>
      %dma_start3A_38 = arith.constant 0 : i32
      %dma_start3A_39 = arith.constant 0 : i32
      %dma_start3A_40 = tpu.memref_slice %arg2[%dma_start3A_38, %dma_start3A_39] : memref<10240x128xf32, #tpu.memory_space<hbm>> -> memref<10240x128xf32, #tpu.memory_space<hbm>>
      tpu.enqueue_indirect_dma source(%dma_start3A_40 : memref<10240x128xf32, #tpu.memory_space<hbm>>) target(%arg8 : memref<128x128xf32, #tpu.memory_space<vmem>>) offsets(%dma_start3A_37 : memref<128xi32, #tpu.memory_space<vmem>>) semaphore(%arg10 : memref<!tpu.dma_semaphore, #tpu.memory_space<semaphore_mem>>)
      %dma_wait3A = arith.constant 0 : i32
      %dma_wait3A_41 = tpu.memref_slice %arg6[%scan3A_34, %dma_wait3A] : memref<80x128xi32, #tpu.memory_space<vmem>> -> memref<1x128xi32, #tpu.memory_space<vmem>>
      %dma_wait3A_42 = tpu.memref_squeeze %dma_wait3A_41 : memref<1x128xi32, #tpu.memory_space<vmem>> -> memref<128xi32, #tpu.memory_space<vmem>>
      %dma_wait3A_43 = arith.constant 0 : i32
      %dma_wait3A_44 = arith.constant 0 : i32
      %dma_wait3A_45 = tpu.memref_slice %arg2[%dma_wait3A_43, %dma_wait3A_44] : memref<10240x128xf32, #tpu.memory_space<hbm>> -> memref<10240x128xf32, #tpu.memory_space<hbm>>
      tpu.wait_indirect_dma semaphore(%arg10 : memref<!tpu.dma_semaphore, #tpu.memory_space<semaphore_mem>>) src(%dma_wait3A_45 : memref<10240x128xf32, #tpu.memory_space<hbm>>) dst(%arg8 : memref<128x128xf32, #tpu.memory_space<vmem>>)
      "tpu.region"() ({
        %run_scoped3A = tpu.sem_alloc : memref<!tpu.dma_semaphore, #tpu.memory_space<semaphore_mem>>
        %dma_start3A_47 = arith.constant 0 : i32
        %dma_start3A_48 = tpu.memref_slice %arg7[%scan3A_34, %dma_start3A_47] : memref<80x128xi32, #tpu.memory_space<vmem>> -> memref<1x128xi32, #tpu.memory_space<vmem>>
        %dma_start3A_49 = tpu.memref_squeeze %dma_start3A_48 : memref<1x128xi32, #tpu.memory_space<vmem>> -> memref<128xi32, #tpu.memory_space<vmem>>
        %dma_start3A_50 = arith.constant 0 : i32
        %dma_start3A_51 = arith.constant 0 : i32
        %dma_start3A_52 = tpu.memref_slice %arg9[%dma_start3A_50, %dma_start3A_51] : memref<10240x128xf32, #tpu.memory_space<vmem_shared>> -> memref<10240x128xf32, #tpu.memory_space<vmem_shared>>
        tpu.enqueue_indirect_dma source(%arg8 : memref<128x128xf32, #tpu.memory_space<vmem>>) target(%dma_start3A_52 : memref<10240x128xf32, #tpu.memory_space<vmem_shared>>) offsets(%dma_start3A_49 : memref<128xi32, #tpu.memory_space<vmem>>) semaphore(%run_scoped3A : memref<!tpu.dma_semaphore, #tpu.memory_space<semaphore_mem>>) {add = true}
        %dma_wait3A_53 = arith.constant 0 : i32
        %dma_wait3A_54 = tpu.memref_slice %arg7[%scan3A_34, %dma_wait3A_53] : memref<80x128xi32, #tpu.memory_space<vmem>> -> memref<1x128xi32, #tpu.memory_space<vmem>>
        %dma_wait3A_55 = tpu.memref_squeeze %dma_wait3A_54 : memref<1x128xi32, #tpu.memory_space<vmem>> -> memref<128xi32, #tpu.memory_space<vmem>>
        %dma_wait3A_56 = arith.constant 0 : i32
        %dma_wait3A_57 = arith.constant 0 : i32
        %dma_wait3A_58 = tpu.memref_slice %arg9[%dma_wait3A_56, %dma_wait3A_57] : memref<10240x128xf32, #tpu.memory_space<vmem_shared>> -> memref<10240x128xf32, #tpu.memory_space<vmem_shared>>
        tpu.wait_indirect_dma semaphore(%run_scoped3A : memref<!tpu.dma_semaphore, #tpu.memory_space<semaphore_mem>>) src(%arg8 : memref<128x128xf32, #tpu.memory_space<vmem>>) dst(%dma_wait3A_58 : memref<10240x128xf32, #tpu.memory_space<vmem_shared>>)
        tpu.yield
      }) : () -> ()
      %scan3A_46 = arith.constant 0 : i32
      scf.yield %scan3A_46 : i32
    }
    %scan3A_25 = arith.constant 80 : i32
    %barrier3A_26 = arith.constant 0 : index
    tpu.barrier barrier_id(%barrier3A_26)
    %scan3A_27 = arith.constant 0 : i32
    %scan3A_28 = arith.constant 0 : i32
    %scan3A_29 = arith.constant 5 : i32
    %scan3A_30 = arith.addi %scan3A_28, %scan3A_29 : i32
    %scan3A_31 = arith.constant 1 : i32
    %scan3A_32 = scf.for %scan3A_34 = %scan3A_28 to %scan3A_30 step %scan3A_31 iter_args(%scan3A_35 = %scan3A_27) -> (i32)  : i32 {
      %mul3A_36 = arith.constant 5 : i32
      %mul3A_37 = arith.muli %arg1, %mul3A_36 : i32
      %add3A_38 = arith.addi %mul3A_37, %scan3A_34 : i32
      %mul3A_39 = arith.constant 128 : i32
      %mul3A_40 = arith.muli %add3A_38, %mul3A_39 : i32
      %mul3A_41 = arith.constant 10240 : i32
      %mul3A_42 = arith.muli %arg0, %mul3A_41 : i32
      %add3A_43 = arith.addi %mul3A_42, %mul3A_40 : i32
      "tpu.region"() ({
        %run_scoped3A = tpu.sem_alloc : memref<!tpu.dma_semaphore, #tpu.memory_space<semaphore_mem>>
        %dma_start3A = arith.constant 0 : i32
        %dma_start3A_45 = tpu.memref_slice %arg5[%add3A_43, %dma_start3A] : memref<20480x128xf32, #tpu.memory_space<hbm>> -> memref<128x128xf32, #tpu.memory_space<hbm>>
        %dma_start3A_46 = arith.constant 0 : i32
        %dma_start3A_47 = tpu.memref_slice %arg9[%mul3A_40, %dma_start3A_46] : memref<10240x128xf32, #tpu.memory_space<vmem_shared>> -> memref<128x128xf32, #tpu.memory_space<vmem_shared>>
        tpu.enqueue_dma source(%dma_start3A_47 : memref<128x128xf32, #tpu.memory_space<vmem_shared>>) target(%dma_start3A_45 : memref<128x128xf32, #tpu.memory_space<hbm>>) target_semaphore(%run_scoped3A : memref<!tpu.dma_semaphore, #tpu.memory_space<semaphore_mem>>)
        %dma_wait3A = arith.constant 0 : i32
        %dma_wait3A_48 = tpu.memref_slice %arg5[%add3A_43, %dma_wait3A] : memref<20480x128xf32, #tpu.memory_space<hbm>> -> memref<128x128xf32, #tpu.memory_space<hbm>>
        %dma_wait3A_49 = arith.constant 0 : i32
        %dma_wait3A_50 = tpu.memref_slice %arg9[%mul3A_40, %dma_wait3A_49] : memref<10240x128xf32, #tpu.memory_space<vmem_shared>> -> memref<128x128xf32, #tpu.memory_space<vmem_shared>>
        tpu.wait_dma2 semaphore(%run_scoped3A : memref<!tpu.dma_semaphore, #tpu.memory_space<semaphore_mem>>) src(%dma_wait3A_50 : memref<128x128xf32, #tpu.memory_space<vmem_shared>>) dst(%dma_wait3A_48 : memref<128x128xf32, #tpu.memory_space<hbm>>)
        tpu.yield
      }) : () -> ()
      %scan3A_44 = arith.constant 0 : i32
      scf.yield %scan3A_44 : i32
    }
    %scan3A_33 = arith.constant 5 : i32
    return
  }
}

#map = affine_map<(d0, d1) -> (0, 0)>
module attributes {stable_mosaic.version = 14 : i64} {
  func.func @_pool_sc(%arg0: i32, %arg1: i32, %arg2: memref<10240x128xf32, #tpu.memory_space<hbm>>, %arg3: memref<128x80xi32, #tpu.memory_space<hbm>>, %arg4: memref<256x128xf32, #tpu.memory_space<hbm>>, %arg5: memref<4x80xi32, #tpu.memory_space<vmem>>, %arg6: memref<80x128xf32, #tpu.memory_space<vmem>>, %arg7: memref<128x128xf32, #tpu.memory_space<vmem_shared>>) attributes {dimension_semantics = [#tpu.dimension_semantics<core_parallel>, #tpu.dimension_semantics<subcore_parallel>], iteration_bounds = array<i64: 2, 16>, scalar_prefetch = 0 : i64, scratch_operands = 3 : i64, tpu.core_type = #tpu.core_type<sc_vector_subcore>, window_params = [{transform_indices = #map}, {transform_indices = #map}, {transform_indices = #map}]} {
    %mul3A = arith.constant 16 : i32
    %mul3A_0 = arith.muli %arg0, %mul3A : i32
    %add3A = arith.addi %mul3A_0, %arg1 : i32
    %broadcast_in_dim3A = arith.constant 0.000000e+00 : f32
    %broadcast_in_dim3A_1 = vector.broadcast %broadcast_in_dim3A : f32 to vector<16xf32>
    %scan3A = arith.constant 0 : i32
    %scan3A_2 = arith.constant 0 : i32
    %scan3A_3 = arith.constant 8 : i32
    %scan3A_4 = arith.addi %scan3A_2, %scan3A_3 : i32
    %scan3A_5 = arith.constant 1 : i32
    %scan3A_6 = scf.for %scan3A_27 = %scan3A_2 to %scan3A_4 step %scan3A_5 iter_args(%scan3A_28 = %scan3A) -> (i32)  : i32 {
      %swap3A = arith.index_cast %scan3A_27 : i32 to index
      %swap3A_29 = arith.constant 0 : index
      %swap3A_30 = tpu.vector_load %arg6[%swap3A, %swap3A_29] {strides = array<i32>} : memref<80x128xf32, #tpu.memory_space<vmem>>, vector<1x16xf32>,
      %swap3A_31 = vector.shape_cast %swap3A_30 : vector<1x16xf32> to vector<16xf32>
      %swap3A_32 = vector.shape_cast %broadcast_in_dim3A_1 : vector<16xf32> to vector<1x16xf32>
      tpu.vector_store %arg6[%swap3A, %swap3A_29], %swap3A_32 {strides = array<i32>} : memref<80x128xf32, #tpu.memory_space<vmem>>, vector<1x16xf32>,
      %swap3A_33 = arith.index_cast %scan3A_27 : i32 to index
      %swap3A_34 = arith.constant 16 : index
      %swap3A_35 = tpu.vector_load %arg6[%swap3A_33, %swap3A_34] {strides = array<i32>} : memref<80x128xf32, #tpu.memory_space<vmem>>, vector<1x16xf32>,
      %swap3A_36 = vector.shape_cast %swap3A_35 : vector<1x16xf32> to vector<16xf32>
      %swap3A_37 = vector.shape_cast %broadcast_in_dim3A_1 : vector<16xf32> to vector<1x16xf32>
      tpu.vector_store %arg6[%swap3A_33, %swap3A_34], %swap3A_37 {strides = array<i32>} : memref<80x128xf32, #tpu.memory_space<vmem>>, vector<1x16xf32>,
      %swap3A_38 = arith.index_cast %scan3A_27 : i32 to index
      %swap3A_39 = arith.constant 32 : index
      %swap3A_40 = tpu.vector_load %arg6[%swap3A_38, %swap3A_39] {strides = array<i32>} : memref<80x128xf32, #tpu.memory_space<vmem>>, vector<1x16xf32>,
      %swap3A_41 = vector.shape_cast %swap3A_40 : vector<1x16xf32> to vector<16xf32>
      %swap3A_42 = vector.shape_cast %broadcast_in_dim3A_1 : vector<16xf32> to vector<1x16xf32>
      tpu.vector_store %arg6[%swap3A_38, %swap3A_39], %swap3A_42 {strides = array<i32>} : memref<80x128xf32, #tpu.memory_space<vmem>>, vector<1x16xf32>,
      %swap3A_43 = arith.index_cast %scan3A_27 : i32 to index
      %swap3A_44 = arith.constant 48 : index
      %swap3A_45 = tpu.vector_load %arg6[%swap3A_43, %swap3A_44] {strides = array<i32>} : memref<80x128xf32, #tpu.memory_space<vmem>>, vector<1x16xf32>,
      %swap3A_46 = vector.shape_cast %swap3A_45 : vector<1x16xf32> to vector<16xf32>
      %swap3A_47 = vector.shape_cast %broadcast_in_dim3A_1 : vector<16xf32> to vector<1x16xf32>
      tpu.vector_store %arg6[%swap3A_43, %swap3A_44], %swap3A_47 {strides = array<i32>} : memref<80x128xf32, #tpu.memory_space<vmem>>, vector<1x16xf32>,
      %swap3A_48 = arith.index_cast %scan3A_27 : i32 to index
      %swap3A_49 = arith.constant 64 : index
      %swap3A_50 = tpu.vector_load %arg6[%swap3A_48, %swap3A_49] {strides = array<i32>} : memref<80x128xf32, #tpu.memory_space<vmem>>, vector<1x16xf32>,
      %swap3A_51 = vector.shape_cast %swap3A_50 : vector<1x16xf32> to vector<16xf32>
      %swap3A_52 = vector.shape_cast %broadcast_in_dim3A_1 : vector<16xf32> to vector<1x16xf32>
      tpu.vector_store %arg6[%swap3A_48, %swap3A_49], %swap3A_52 {strides = array<i32>} : memref<80x128xf32, #tpu.memory_space<vmem>>, vector<1x16xf32>,
      %swap3A_53 = arith.index_cast %scan3A_27 : i32 to index
      %swap3A_54 = arith.constant 80 : index
      %swap3A_55 = tpu.vector_load %arg6[%swap3A_53, %swap3A_54] {strides = array<i32>} : memref<80x128xf32, #tpu.memory_space<vmem>>, vector<1x16xf32>,
      %swap3A_56 = vector.shape_cast %swap3A_55 : vector<1x16xf32> to vector<16xf32>
      %swap3A_57 = vector.shape_cast %broadcast_in_dim3A_1 : vector<16xf32> to vector<1x16xf32>
      tpu.vector_store %arg6[%swap3A_53, %swap3A_54], %swap3A_57 {strides = array<i32>} : memref<80x128xf32, #tpu.memory_space<vmem>>, vector<1x16xf32>,
      %swap3A_58 = arith.index_cast %scan3A_27 : i32 to index
      %swap3A_59 = arith.constant 96 : index
      %swap3A_60 = tpu.vector_load %arg6[%swap3A_58, %swap3A_59] {strides = array<i32>} : memref<80x128xf32, #tpu.memory_space<vmem>>, vector<1x16xf32>,
      %swap3A_61 = vector.shape_cast %swap3A_60 : vector<1x16xf32> to vector<16xf32>
      %swap3A_62 = vector.shape_cast %broadcast_in_dim3A_1 : vector<16xf32> to vector<1x16xf32>
      tpu.vector_store %arg6[%swap3A_58, %swap3A_59], %swap3A_62 {strides = array<i32>} : memref<80x128xf32, #tpu.memory_space<vmem>>, vector<1x16xf32>,
      %swap3A_63 = arith.index_cast %scan3A_27 : i32 to index
      %swap3A_64 = arith.constant 112 : index
      %swap3A_65 = tpu.vector_load %arg6[%swap3A_63, %swap3A_64] {strides = array<i32>} : memref<80x128xf32, #tpu.memory_space<vmem>>, vector<1x16xf32>,
      %swap3A_66 = vector.shape_cast %swap3A_65 : vector<1x16xf32> to vector<16xf32>
      %swap3A_67 = vector.shape_cast %broadcast_in_dim3A_1 : vector<16xf32> to vector<1x16xf32>
      tpu.vector_store %arg6[%swap3A_63, %swap3A_64], %swap3A_67 {strides = array<i32>} : memref<80x128xf32, #tpu.memory_space<vmem>>, vector<1x16xf32>,
      %scan3A_68 = arith.constant 0 : i32
      scf.yield %scan3A_68 : i32
    }
    %scan3A_7 = arith.constant 8 : i32
    %mul3A_8 = arith.constant 8 : i32
    %mul3A_9 = arith.muli %arg1, %mul3A_8 : i32
    "tpu.region"() ({
      %run_scoped3A = tpu.sem_alloc : memref<!tpu.dma_semaphore, #tpu.memory_space<semaphore_mem>>
      %dma_start3A = arith.constant 0 : i32
      %dma_start3A_27 = arith.constant 0 : i32
      %dma_start3A_28 = tpu.memref_slice %arg6[%dma_start3A, %dma_start3A_27] : memref<80x128xf32, #tpu.memory_space<vmem>> -> memref<8x128xf32, #tpu.memory_space<vmem>>
      %dma_start3A_29 = arith.constant 0 : i32
      %dma_start3A_30 = tpu.memref_slice %arg7[%mul3A_9, %dma_start3A_29] : memref<128x128xf32, #tpu.memory_space<vmem_shared>> -> memref<8x128xf32, #tpu.memory_space<vmem_shared>>
      %dma_start3A_31 = arith.constant 0 : i32
      %dma_start3A_32 = tpu.memref_slice %arg7[%mul3A_9, %dma_start3A_31] : memref<128x128xf32, #tpu.memory_space<vmem_shared>> -> memref<8x128xf32, #tpu.memory_space<vmem_shared>>
      %dma_start3A_33 = arith.constant 0 : i32
      %dma_start3A_34 = arith.constant 0 : i32
      %dma_start3A_35 = tpu.memref_slice %arg6[%dma_start3A_33, %dma_start3A_34] : memref<80x128xf32, #tpu.memory_space<vmem>> -> memref<8x128xf32, #tpu.memory_space<vmem>>
      tpu.enqueue_dma source(%dma_start3A_35 : memref<8x128xf32, #tpu.memory_space<vmem>>) target(%dma_start3A_32 : memref<8x128xf32, #tpu.memory_space<vmem_shared>>) target_semaphore(%run_scoped3A : memref<!tpu.dma_semaphore, #tpu.memory_space<semaphore_mem>>)
      %dma_wait3A = arith.constant 0 : i32
      %dma_wait3A_36 = arith.constant 0 : i32
      %dma_wait3A_37 = tpu.memref_slice %arg6[%dma_wait3A, %dma_wait3A_36] : memref<80x128xf32, #tpu.memory_space<vmem>> -> memref<8x128xf32, #tpu.memory_space<vmem>>
      %dma_wait3A_38 = arith.constant 0 : i32
      %dma_wait3A_39 = tpu.memref_slice %arg7[%mul3A_9, %dma_wait3A_38] : memref<128x128xf32, #tpu.memory_space<vmem_shared>> -> memref<8x128xf32, #tpu.memory_space<vmem_shared>>
      %dma_wait3A_40 = arith.constant 0 : i32
      %dma_wait3A_41 = tpu.memref_slice %arg7[%mul3A_9, %dma_wait3A_40] : memref<128x128xf32, #tpu.memory_space<vmem_shared>> -> memref<8x128xf32, #tpu.memory_space<vmem_shared>>
      %dma_wait3A_42 = arith.constant 0 : i32
      %dma_wait3A_43 = arith.constant 0 : i32
      %dma_wait3A_44 = tpu.memref_slice %arg6[%dma_wait3A_42, %dma_wait3A_43] : memref<80x128xf32, #tpu.memory_space<vmem>> -> memref<8x128xf32, #tpu.memory_space<vmem>>
      tpu.wait_dma2 semaphore(%run_scoped3A : memref<!tpu.dma_semaphore, #tpu.memory_space<semaphore_mem>>) src(%dma_wait3A_44 : memref<8x128xf32, #tpu.memory_space<vmem>>) dst(%dma_wait3A_41 : memref<8x128xf32, #tpu.memory_space<vmem_shared>>)
      tpu.yield
    }) : () -> ()
    %mul3A_10 = arith.constant 4 : i32
    %mul3A_11 = arith.muli %add3A, %mul3A_10 : i32
    "tpu.region"() ({
      %run_scoped3A = tpu.sem_alloc : memref<!tpu.dma_semaphore, #tpu.memory_space<semaphore_mem>>
      %dma_start3A = arith.constant 0 : i32
      %dma_start3A_27 = tpu.memref_slice %arg3[%mul3A_11, %dma_start3A] : memref<128x80xi32, #tpu.memory_space<hbm>> -> memref<4x80xi32, #tpu.memory_space<hbm>>
      %dma_start3A_28 = arith.constant 0 : i32
      %dma_start3A_29 = tpu.memref_slice %arg3[%mul3A_11, %dma_start3A_28] : memref<128x80xi32, #tpu.memory_space<hbm>> -> memref<4x80xi32, #tpu.memory_space<hbm>>
      tpu.enqueue_dma source(%dma_start3A_29 : memref<4x80xi32, #tpu.memory_space<hbm>>) target(%arg5 : memref<4x80xi32, #tpu.memory_space<vmem>>) target_semaphore(%run_scoped3A : memref<!tpu.dma_semaphore, #tpu.memory_space<semaphore_mem>>)
      %dma_wait3A = arith.constant 0 : i32
      %dma_wait3A_30 = tpu.memref_slice %arg3[%mul3A_11, %dma_wait3A] : memref<128x80xi32, #tpu.memory_space<hbm>> -> memref<4x80xi32, #tpu.memory_space<hbm>>
      %dma_wait3A_31 = arith.constant 0 : i32
      %dma_wait3A_32 = tpu.memref_slice %arg3[%mul3A_11, %dma_wait3A_31] : memref<128x80xi32, #tpu.memory_space<hbm>> -> memref<4x80xi32, #tpu.memory_space<hbm>>
      tpu.wait_dma2 semaphore(%run_scoped3A : memref<!tpu.dma_semaphore, #tpu.memory_space<semaphore_mem>>) src(%dma_wait3A_32 : memref<4x80xi32, #tpu.memory_space<hbm>>) dst(%arg5 : memref<4x80xi32, #tpu.memory_space<vmem>>)
      tpu.yield
    }) : () -> ()
    %barrier3A = arith.constant 0 : index
    tpu.barrier barrier_id(%barrier3A)
    %scan3A_12 = arith.constant 0 : i32
    %scan3A_13 = arith.constant 0 : i32
    %scan3A_14 = arith.constant 4 : i32
    %scan3A_15 = arith.addi %scan3A_13, %scan3A_14 : i32
    %scan3A_16 = arith.constant 1 : i32
    %scan3A_17 = scf.for %scan3A_27 = %scan3A_13 to %scan3A_15 step %scan3A_16 iter_args(%scan3A_28 = %scan3A_12) -> (i32)  : i32 {
      %mul3A_29 = arith.constant 4 : i32
      %mul3A_30 = arith.muli %add3A, %mul3A_29 : i32
      %add3A_31 = arith.addi %mul3A_30, %scan3A_27 : i32
      %mul3A_32 = arith.constant 80 : i32
      %mul3A_33 = arith.muli %add3A_31, %mul3A_32 : i32
      "tpu.region"() ({
        %run_scoped3A = tpu.sem_alloc : memref<!tpu.dma_semaphore, #tpu.memory_space<semaphore_mem>>
        %dma_start3A = arith.constant 0 : i32
        %dma_start3A_35 = tpu.memref_slice %arg2[%mul3A_33, %dma_start3A] : memref<10240x128xf32, #tpu.memory_space<hbm>> -> memref<80x128xf32, #tpu.memory_space<hbm>>
        %dma_start3A_36 = arith.constant 0 : i32
        %dma_start3A_37 = tpu.memref_slice %arg2[%mul3A_33, %dma_start3A_36] : memref<10240x128xf32, #tpu.memory_space<hbm>> -> memref<80x128xf32, #tpu.memory_space<hbm>>
        tpu.enqueue_dma source(%dma_start3A_37 : memref<80x128xf32, #tpu.memory_space<hbm>>) target(%arg6 : memref<80x128xf32, #tpu.memory_space<vmem>>) target_semaphore(%run_scoped3A : memref<!tpu.dma_semaphore, #tpu.memory_space<semaphore_mem>>)
        %dma_wait3A = arith.constant 0 : i32
        %dma_wait3A_38 = tpu.memref_slice %arg2[%mul3A_33, %dma_wait3A] : memref<10240x128xf32, #tpu.memory_space<hbm>> -> memref<80x128xf32, #tpu.memory_space<hbm>>
        %dma_wait3A_39 = arith.constant 0 : i32
        %dma_wait3A_40 = tpu.memref_slice %arg2[%mul3A_33, %dma_wait3A_39] : memref<10240x128xf32, #tpu.memory_space<hbm>> -> memref<80x128xf32, #tpu.memory_space<hbm>>
        tpu.wait_dma2 semaphore(%run_scoped3A : memref<!tpu.dma_semaphore, #tpu.memory_space<semaphore_mem>>) src(%dma_wait3A_40 : memref<80x128xf32, #tpu.memory_space<hbm>>) dst(%arg6 : memref<80x128xf32, #tpu.memory_space<vmem>>)
        tpu.yield
      }) : () -> ()
      "tpu.region"() ({
        %run_scoped3A = tpu.sem_alloc : memref<!tpu.dma_semaphore, #tpu.memory_space<semaphore_mem>>
        %dma_start3A = arith.constant 0 : i32
        %dma_start3A_35 = tpu.memref_slice %arg5[%scan3A_27, %dma_start3A] : memref<4x80xi32, #tpu.memory_space<vmem>> -> memref<1x80xi32, #tpu.memory_space<vmem>>
        %dma_start3A_36 = tpu.memref_squeeze %dma_start3A_35 : memref<1x80xi32, #tpu.memory_space<vmem>> -> memref<80xi32, #tpu.memory_space<vmem>>
        %dma_start3A_37 = arith.constant 0 : i32
        %dma_start3A_38 = arith.constant 0 : i32
        %dma_start3A_39 = tpu.memref_slice %arg7[%dma_start3A_37, %dma_start3A_38] : memref<128x128xf32, #tpu.memory_space<vmem_shared>> -> memref<128x128xf32, #tpu.memory_space<vmem_shared>>
        tpu.enqueue_indirect_dma source(%arg6 : memref<80x128xf32, #tpu.memory_space<vmem>>) target(%dma_start3A_39 : memref<128x128xf32, #tpu.memory_space<vmem_shared>>) offsets(%dma_start3A_36 : memref<80xi32, #tpu.memory_space<vmem>>) semaphore(%run_scoped3A : memref<!tpu.dma_semaphore, #tpu.memory_space<semaphore_mem>>) {add = true}
        %dma_wait3A = arith.constant 0 : i32
        %dma_wait3A_40 = tpu.memref_slice %arg5[%scan3A_27, %dma_wait3A] : memref<4x80xi32, #tpu.memory_space<vmem>> -> memref<1x80xi32, #tpu.memory_space<vmem>>
        %dma_wait3A_41 = tpu.memref_squeeze %dma_wait3A_40 : memref<1x80xi32, #tpu.memory_space<vmem>> -> memref<80xi32, #tpu.memory_space<vmem>>
        %dma_wait3A_42 = arith.constant 0 : i32
        %dma_wait3A_43 = arith.constant 0 : i32
        %dma_wait3A_44 = tpu.memref_slice %arg7[%dma_wait3A_42, %dma_wait3A_43] : memref<128x128xf32, #tpu.memory_space<vmem_shared>> -> memref<128x128xf32, #tpu.memory_space<vmem_shared>>
        tpu.wait_indirect_dma semaphore(%run_scoped3A : memref<!tpu.dma_semaphore, #tpu.memory_space<semaphore_mem>>) src(%arg6 : memref<80x128xf32, #tpu.memory_space<vmem>>) dst(%dma_wait3A_44 : memref<128x128xf32, #tpu.memory_space<vmem_shared>>)
        tpu.yield
      }) : () -> ()
      %scan3A_34 = arith.constant 0 : i32
      scf.yield %scan3A_34 : i32
    }
    %scan3A_18 = arith.constant 4 : i32
    %barrier3A_19 = arith.constant 0 : index
    tpu.barrier barrier_id(%barrier3A_19)
    %mul3A_20 = arith.constant 8 : i32
    %mul3A_21 = arith.muli %arg1, %mul3A_20 : i32
    %mul3A_22 = arith.constant 128 : i32
    %mul3A_23 = arith.muli %arg0, %mul3A_22 : i32
    %mul3A_24 = arith.constant 8 : i32
    %mul3A_25 = arith.muli %arg1, %mul3A_24 : i32
    %add3A_26 = arith.addi %mul3A_23, %mul3A_25 : i32
    "tpu.region"() ({
      %run_scoped3A = tpu.sem_alloc : memref<!tpu.dma_semaphore, #tpu.memory_space<semaphore_mem>>
      %dma_start3A = arith.constant 0 : i32
      %dma_start3A_27 = tpu.memref_slice %arg4[%add3A_26, %dma_start3A] : memref<256x128xf32, #tpu.memory_space<hbm>> -> memref<8x128xf32, #tpu.memory_space<hbm>>
      %dma_start3A_28 = arith.constant 0 : i32
      %dma_start3A_29 = tpu.memref_slice %arg7[%mul3A_21, %dma_start3A_28] : memref<128x128xf32, #tpu.memory_space<vmem_shared>> -> memref<8x128xf32, #tpu.memory_space<vmem_shared>>
      tpu.enqueue_dma source(%dma_start3A_29 : memref<8x128xf32, #tpu.memory_space<vmem_shared>>) target(%dma_start3A_27 : memref<8x128xf32, #tpu.memory_space<hbm>>) target_semaphore(%run_scoped3A : memref<!tpu.dma_semaphore, #tpu.memory_space<semaphore_mem>>)
      %dma_wait3A = arith.constant 0 : i32
      %dma_wait3A_30 = tpu.memref_slice %arg4[%add3A_26, %dma_wait3A] : memref<256x128xf32, #tpu.memory_space<hbm>> -> memref<8x128xf32, #tpu.memory_space<hbm>>
      %dma_wait3A_31 = arith.constant 0 : i32
      %dma_wait3A_32 = tpu.memref_slice %arg7[%mul3A_21, %dma_wait3A_31] : memref<128x128xf32, #tpu.memory_space<vmem_shared>> -> memref<8x128xf32, #tpu.memory_space<vmem_shared>>
      tpu.wait_dma2 semaphore(%run_scoped3A : memref<!tpu.dma_semaphore, #tpu.memory_space<semaphore_mem>>) src(%dma_wait3A_32 : memref<8x128xf32, #tpu.memory_space<vmem_shared>>) dst(%dma_wait3A_30 : memref<8x128xf32, #tpu.memory_space<hbm>>)
      tpu.yield
    }) : () -> ()
    return
  }
}

#map = affine_map<(d0, d1) -> (0, 0)>
module attributes {stable_mosaic.version = 14 : i64} {
  func.func @_agg_sc(%arg0: i32, %arg1: i32, %arg2: memref<10240x128xf32, #tpu.memory_space<hbm>>, %arg3: memref<2560x128xi32, #tpu.memory_space<hbm>>, %arg4: memref<2560x128xi32, #tpu.memory_space<hbm>>, %arg5: memref<20480x128xf32, #tpu.memory_space<hbm>>, %arg6: memref<80x128xi32, #tpu.memory_space<vmem>>, %arg7: memref<80x128xi32, #tpu.memory_space<vmem>>, %arg8: memref<128x128xf32, #tpu.memory_space<vmem>>, %arg9: memref<10240x128xf32, #tpu.memory_space<vmem_shared>>, %arg10: memref<!tpu.dma_semaphore, #tpu.memory_space<semaphore_mem>>) attributes {dimension_semantics = [#tpu.dimension_semantics<core_parallel>, #tpu.dimension_semantics<subcore_parallel>], iteration_bounds = array<i64: 2, 16>, scalar_prefetch = 0 : i64, scratch_operands = 5 : i64, tpu.core_type = #tpu.core_type<sc_vector_subcore>, window_params = [{transform_indices = #map}, {transform_indices = #map}, {transform_indices = #map}, {transform_indices = #map}]} {
    %mul3A = arith.constant 16 : i32
    %mul3A_0 = arith.muli %arg0, %mul3A : i32
    %add3A = arith.addi %mul3A_0, %arg1 : i32
    %broadcast_in_dim3A = arith.constant 0.000000e+00 : f32
    %broadcast_in_dim3A_1 = vector.broadcast %broadcast_in_dim3A : f32 to vector<16xf32>
    %scan3A = arith.constant 0 : i32
    %scan3A_2 = arith.constant 0 : i32
    %scan3A_3 = arith.constant 128 : i32
    %scan3A_4 = arith.addi %scan3A_2, %scan3A_3 : i32
    %scan3A_5 = arith.constant 1 : i32
    %scan3A_6 = scf.for %scan3A_34 = %scan3A_2 to %scan3A_4 step %scan3A_5 iter_args(%scan3A_35 = %scan3A) -> (i32)  : i32 {
      %swap3A = arith.index_cast %scan3A_34 : i32 to index
      %swap3A_36 = arith.constant 0 : index
      %swap3A_37 = tpu.vector_load %arg8[%swap3A, %swap3A_36] {strides = array<i32>} : memref<128x128xf32, #tpu.memory_space<vmem>>, vector<1x16xf32>,
      %swap3A_38 = vector.shape_cast %swap3A_37 : vector<1x16xf32> to vector<16xf32>
      %swap3A_39 = vector.shape_cast %broadcast_in_dim3A_1 : vector<16xf32> to vector<1x16xf32>
      tpu.vector_store %arg8[%swap3A, %swap3A_36], %swap3A_39 {strides = array<i32>} : memref<128x128xf32, #tpu.memory_space<vmem>>, vector<1x16xf32>,
      %swap3A_40 = arith.index_cast %scan3A_34 : i32 to index
      %swap3A_41 = arith.constant 16 : index
      %swap3A_42 = tpu.vector_load %arg8[%swap3A_40, %swap3A_41] {strides = array<i32>} : memref<128x128xf32, #tpu.memory_space<vmem>>, vector<1x16xf32>,
      %swap3A_43 = vector.shape_cast %swap3A_42 : vector<1x16xf32> to vector<16xf32>
      %swap3A_44 = vector.shape_cast %broadcast_in_dim3A_1 : vector<16xf32> to vector<1x16xf32>
      tpu.vector_store %arg8[%swap3A_40, %swap3A_41], %swap3A_44 {strides = array<i32>} : memref<128x128xf32, #tpu.memory_space<vmem>>, vector<1x16xf32>,
      %swap3A_45 = arith.index_cast %scan3A_34 : i32 to index
      %swap3A_46 = arith.constant 32 : index
      %swap3A_47 = tpu.vector_load %arg8[%swap3A_45, %swap3A_46] {strides = array<i32>} : memref<128x128xf32, #tpu.memory_space<vmem>>, vector<1x16xf32>,
      %swap3A_48 = vector.shape_cast %swap3A_47 : vector<1x16xf32> to vector<16xf32>
      %swap3A_49 = vector.shape_cast %broadcast_in_dim3A_1 : vector<16xf32> to vector<1x16xf32>
      tpu.vector_store %arg8[%swap3A_45, %swap3A_46], %swap3A_49 {strides = array<i32>} : memref<128x128xf32, #tpu.memory_space<vmem>>, vector<1x16xf32>,
      %swap3A_50 = arith.index_cast %scan3A_34 : i32 to index
      %swap3A_51 = arith.constant 48 : index
      %swap3A_52 = tpu.vector_load %arg8[%swap3A_50, %swap3A_51] {strides = array<i32>} : memref<128x128xf32, #tpu.memory_space<vmem>>, vector<1x16xf32>,
      %swap3A_53 = vector.shape_cast %swap3A_52 : vector<1x16xf32> to vector<16xf32>
      %swap3A_54 = vector.shape_cast %broadcast_in_dim3A_1 : vector<16xf32> to vector<1x16xf32>
      tpu.vector_store %arg8[%swap3A_50, %swap3A_51], %swap3A_54 {strides = array<i32>} : memref<128x128xf32, #tpu.memory_space<vmem>>, vector<1x16xf32>,
      %swap3A_55 = arith.index_cast %scan3A_34 : i32 to index
      %swap3A_56 = arith.constant 64 : index
      %swap3A_57 = tpu.vector_load %arg8[%swap3A_55, %swap3A_56] {strides = array<i32>} : memref<128x128xf32, #tpu.memory_space<vmem>>, vector<1x16xf32>,
      %swap3A_58 = vector.shape_cast %swap3A_57 : vector<1x16xf32> to vector<16xf32>
      %swap3A_59 = vector.shape_cast %broadcast_in_dim3A_1 : vector<16xf32> to vector<1x16xf32>
      tpu.vector_store %arg8[%swap3A_55, %swap3A_56], %swap3A_59 {strides = array<i32>} : memref<128x128xf32, #tpu.memory_space<vmem>>, vector<1x16xf32>,
      %swap3A_60 = arith.index_cast %scan3A_34 : i32 to index
      %swap3A_61 = arith.constant 80 : index
      %swap3A_62 = tpu.vector_load %arg8[%swap3A_60, %swap3A_61] {strides = array<i32>} : memref<128x128xf32, #tpu.memory_space<vmem>>, vector<1x16xf32>,
      %swap3A_63 = vector.shape_cast %swap3A_62 : vector<1x16xf32> to vector<16xf32>
      %swap3A_64 = vector.shape_cast %broadcast_in_dim3A_1 : vector<16xf32> to vector<1x16xf32>
      tpu.vector_store %arg8[%swap3A_60, %swap3A_61], %swap3A_64 {strides = array<i32>} : memref<128x128xf32, #tpu.memory_space<vmem>>, vector<1x16xf32>,
      %swap3A_65 = arith.index_cast %scan3A_34 : i32 to index
      %swap3A_66 = arith.constant 96 : index
      %swap3A_67 = tpu.vector_load %arg8[%swap3A_65, %swap3A_66] {strides = array<i32>} : memref<128x128xf32, #tpu.memory_space<vmem>>, vector<1x16xf32>,
      %swap3A_68 = vector.shape_cast %swap3A_67 : vector<1x16xf32> to vector<16xf32>
      %swap3A_69 = vector.shape_cast %broadcast_in_dim3A_1 : vector<16xf32> to vector<1x16xf32>
      tpu.vector_store %arg8[%swap3A_65, %swap3A_66], %swap3A_69 {strides = array<i32>} : memref<128x128xf32, #tpu.memory_space<vmem>>, vector<1x16xf32>,
      %swap3A_70 = arith.index_cast %scan3A_34 : i32 to index
      %swap3A_71 = arith.constant 112 : index
      %swap3A_72 = tpu.vector_load %arg8[%swap3A_70, %swap3A_71] {strides = array<i32>} : memref<128x128xf32, #tpu.memory_space<vmem>>, vector<1x16xf32>,
      %swap3A_73 = vector.shape_cast %swap3A_72 : vector<1x16xf32> to vector<16xf32>
      %swap3A_74 = vector.shape_cast %broadcast_in_dim3A_1 : vector<16xf32> to vector<1x16xf32>
      tpu.vector_store %arg8[%swap3A_70, %swap3A_71], %swap3A_74 {strides = array<i32>} : memref<128x128xf32, #tpu.memory_space<vmem>>, vector<1x16xf32>,
      %scan3A_75 = arith.constant 0 : i32
      scf.yield %scan3A_75 : i32
    }
    %scan3A_7 = arith.constant 128 : i32
    %scan3A_8 = arith.constant 0 : i32
    %scan3A_9 = arith.constant 0 : i32
    %scan3A_10 = arith.constant 5 : i32
    %scan3A_11 = arith.addi %scan3A_9, %scan3A_10 : i32
    %scan3A_12 = arith.constant 1 : i32
    %scan3A_13 = scf.for %scan3A_34 = %scan3A_9 to %scan3A_11 step %scan3A_12 iter_args(%scan3A_35 = %scan3A_8) -> (i32)  : i32 {
      %mul3A_36 = arith.constant 5 : i32
      %mul3A_37 = arith.muli %arg1, %mul3A_36 : i32
      %add3A_38 = arith.addi %mul3A_37, %scan3A_34 : i32
      %mul3A_39 = arith.constant 128 : i32
      %mul3A_40 = arith.muli %add3A_38, %mul3A_39 : i32
      "tpu.region"() ({
        %run_scoped3A = tpu.sem_alloc : memref<!tpu.dma_semaphore, #tpu.memory_space<semaphore_mem>>
        %dma_start3A = arith.constant 0 : i32
        %dma_start3A_42 = tpu.memref_slice %arg9[%mul3A_40, %dma_start3A] : memref<10240x128xf32, #tpu.memory_space<vmem_shared>> -> memref<128x128xf32, #tpu.memory_space<vmem_shared>>
        %dma_start3A_43 = arith.constant 0 : i32
        %dma_start3A_44 = tpu.memref_slice %arg9[%mul3A_40, %dma_start3A_43] : memref<10240x128xf32, #tpu.memory_space<vmem_shared>> -> memref<128x128xf32, #tpu.memory_space<vmem_shared>>
        tpu.enqueue_dma source(%arg8 : memref<128x128xf32, #tpu.memory_space<vmem>>) target(%dma_start3A_44 : memref<128x128xf32, #tpu.memory_space<vmem_shared>>) target_semaphore(%run_scoped3A : memref<!tpu.dma_semaphore, #tpu.memory_space<semaphore_mem>>)
        %dma_wait3A = arith.constant 0 : i32
        %dma_wait3A_45 = tpu.memref_slice %arg9[%mul3A_40, %dma_wait3A] : memref<10240x128xf32, #tpu.memory_space<vmem_shared>> -> memref<128x128xf32, #tpu.memory_space<vmem_shared>>
        %dma_wait3A_46 = arith.constant 0 : i32
        %dma_wait3A_47 = tpu.memref_slice %arg9[%mul3A_40, %dma_wait3A_46] : memref<10240x128xf32, #tpu.memory_space<vmem_shared>> -> memref<128x128xf32, #tpu.memory_space<vmem_shared>>
        tpu.wait_dma2 semaphore(%run_scoped3A : memref<!tpu.dma_semaphore, #tpu.memory_space<semaphore_mem>>) src(%arg8 : memref<128x128xf32, #tpu.memory_space<vmem>>) dst(%dma_wait3A_47 : memref<128x128xf32, #tpu.memory_space<vmem_shared>>)
        tpu.yield
      }) : () -> ()
      %scan3A_41 = arith.constant 0 : i32
      scf.yield %scan3A_41 : i32
    }
    %scan3A_14 = arith.constant 5 : i32
    %mul3A_15 = arith.constant 80 : i32
    %mul3A_16 = arith.muli %add3A, %mul3A_15 : i32
    "tpu.region"() ({
      %run_scoped3A = tpu.sem_alloc : memref<!tpu.dma_semaphore, #tpu.memory_space<semaphore_mem>>
      %dma_start3A = arith.constant 0 : i32
      %dma_start3A_34 = tpu.memref_slice %arg3[%mul3A_16, %dma_start3A] : memref<2560x128xi32, #tpu.memory_space<hbm>> -> memref<80x128xi32, #tpu.memory_space<hbm>>
      %dma_start3A_35 = arith.constant 0 : i32
      %dma_start3A_36 = tpu.memref_slice %arg3[%mul3A_16, %dma_start3A_35] : memref<2560x128xi32, #tpu.memory_space<hbm>> -> memref<80x128xi32, #tpu.memory_space<hbm>>
      tpu.enqueue_dma source(%dma_start3A_36 : memref<80x128xi32, #tpu.memory_space<hbm>>) target(%arg6 : memref<80x128xi32, #tpu.memory_space<vmem>>) target_semaphore(%run_scoped3A : memref<!tpu.dma_semaphore, #tpu.memory_space<semaphore_mem>>)
      %dma_wait3A = arith.constant 0 : i32
      %dma_wait3A_37 = tpu.memref_slice %arg3[%mul3A_16, %dma_wait3A] : memref<2560x128xi32, #tpu.memory_space<hbm>> -> memref<80x128xi32, #tpu.memory_space<hbm>>
      %dma_wait3A_38 = arith.constant 0 : i32
      %dma_wait3A_39 = tpu.memref_slice %arg3[%mul3A_16, %dma_wait3A_38] : memref<2560x128xi32, #tpu.memory_space<hbm>> -> memref<80x128xi32, #tpu.memory_space<hbm>>
      tpu.wait_dma2 semaphore(%run_scoped3A : memref<!tpu.dma_semaphore, #tpu.memory_space<semaphore_mem>>) src(%dma_wait3A_39 : memref<80x128xi32, #tpu.memory_space<hbm>>) dst(%arg6 : memref<80x128xi32, #tpu.memory_space<vmem>>)
      tpu.yield
    }) : () -> ()
    %mul3A_17 = arith.constant 80 : i32
    %mul3A_18 = arith.muli %add3A, %mul3A_17 : i32
    "tpu.region"() ({
      %run_scoped3A = tpu.sem_alloc : memref<!tpu.dma_semaphore, #tpu.memory_space<semaphore_mem>>
      %dma_start3A = arith.constant 0 : i32
      %dma_start3A_34 = tpu.memref_slice %arg4[%mul3A_18, %dma_start3A] : memref<2560x128xi32, #tpu.memory_space<hbm>> -> memref<80x128xi32, #tpu.memory_space<hbm>>
      %dma_start3A_35 = arith.constant 0 : i32
      %dma_start3A_36 = tpu.memref_slice %arg4[%mul3A_18, %dma_start3A_35] : memref<2560x128xi32, #tpu.memory_space<hbm>> -> memref<80x128xi32, #tpu.memory_space<hbm>>
      tpu.enqueue_dma source(%dma_start3A_36 : memref<80x128xi32, #tpu.memory_space<hbm>>) target(%arg7 : memref<80x128xi32, #tpu.memory_space<vmem>>) target_semaphore(%run_scoped3A : memref<!tpu.dma_semaphore, #tpu.memory_space<semaphore_mem>>)
      %dma_wait3A = arith.constant 0 : i32
      %dma_wait3A_37 = tpu.memref_slice %arg4[%mul3A_18, %dma_wait3A] : memref<2560x128xi32, #tpu.memory_space<hbm>> -> memref<80x128xi32, #tpu.memory_space<hbm>>
      %dma_wait3A_38 = arith.constant 0 : i32
      %dma_wait3A_39 = tpu.memref_slice %arg4[%mul3A_18, %dma_wait3A_38] : memref<2560x128xi32, #tpu.memory_space<hbm>> -> memref<80x128xi32, #tpu.memory_space<hbm>>
      tpu.wait_dma2 semaphore(%run_scoped3A : memref<!tpu.dma_semaphore, #tpu.memory_space<semaphore_mem>>) src(%dma_wait3A_39 : memref<80x128xi32, #tpu.memory_space<hbm>>) dst(%arg7 : memref<80x128xi32, #tpu.memory_space<vmem>>)
      tpu.yield
    }) : () -> ()
    %barrier3A = arith.constant 0 : index
    tpu.barrier barrier_id(%barrier3A)
    %scan3A_19 = arith.constant 0 : i32
    %scan3A_20 = arith.constant 0 : i32
    %scan3A_21 = arith.constant 80 : i32
    %scan3A_22 = arith.addi %scan3A_20, %scan3A_21 : i32
    %scan3A_23 = arith.constant 1 : i32
    %scan3A_24 = scf.for %scan3A_34 = %scan3A_20 to %scan3A_22 step %scan3A_23 iter_args(%scan3A_35 = %scan3A_19) -> (i32)  : i32 {
      %dma_start3A = arith.constant 0 : i32
      %dma_start3A_36 = tpu.memref_slice %arg6[%scan3A_34, %dma_start3A] : memref<80x128xi32, #tpu.memory_space<vmem>> -> memref<1x128xi32, #tpu.memory_space<vmem>>
      %dma_start3A_37 = tpu.memref_squeeze %dma_start3A_36 : memref<1x128xi32, #tpu.memory_space<vmem>> -> memref<128xi32, #tpu.memory_space<vmem>>
      %dma_start3A_38 = arith.constant 0 : i32
      %dma_start3A_39 = arith.constant 0 : i32
      %dma_start3A_40 = tpu.memref_slice %arg2[%dma_start3A_38, %dma_start3A_39] : memref<10240x128xf32, #tpu.memory_space<hbm>> -> memref<10240x128xf32, #tpu.memory_space<hbm>>
      tpu.enqueue_indirect_dma source(%dma_start3A_40 : memref<10240x128xf32, #tpu.memory_space<hbm>>) target(%arg8 : memref<128x128xf32, #tpu.memory_space<vmem>>) offsets(%dma_start3A_37 : memref<128xi32, #tpu.memory_space<vmem>>) semaphore(%arg10 : memref<!tpu.dma_semaphore, #tpu.memory_space<semaphore_mem>>)
      %dma_wait3A = arith.constant 0 : i32
      %dma_wait3A_41 = tpu.memref_slice %arg6[%scan3A_34, %dma_wait3A] : memref<80x128xi32, #tpu.memory_space<vmem>> -> memref<1x128xi32, #tpu.memory_space<vmem>>
      %dma_wait3A_42 = tpu.memref_squeeze %dma_wait3A_41 : memref<1x128xi32, #tpu.memory_space<vmem>> -> memref<128xi32, #tpu.memory_space<vmem>>
      %dma_wait3A_43 = arith.constant 0 : i32
      %dma_wait3A_44 = arith.constant 0 : i32
      %dma_wait3A_45 = tpu.memref_slice %arg2[%dma_wait3A_43, %dma_wait3A_44] : memref<10240x128xf32, #tpu.memory_space<hbm>> -> memref<10240x128xf32, #tpu.memory_space<hbm>>
      tpu.wait_indirect_dma semaphore(%arg10 : memref<!tpu.dma_semaphore, #tpu.memory_space<semaphore_mem>>) src(%dma_wait3A_45 : memref<10240x128xf32, #tpu.memory_space<hbm>>) dst(%arg8 : memref<128x128xf32, #tpu.memory_space<vmem>>)
      "tpu.region"() ({
        %run_scoped3A = tpu.sem_alloc : memref<!tpu.dma_semaphore, #tpu.memory_space<semaphore_mem>>
        %dma_start3A_47 = arith.constant 0 : i32
        %dma_start3A_48 = tpu.memref_slice %arg7[%scan3A_34, %dma_start3A_47] : memref<80x128xi32, #tpu.memory_space<vmem>> -> memref<1x128xi32, #tpu.memory_space<vmem>>
        %dma_start3A_49 = tpu.memref_squeeze %dma_start3A_48 : memref<1x128xi32, #tpu.memory_space<vmem>> -> memref<128xi32, #tpu.memory_space<vmem>>
        %dma_start3A_50 = arith.constant 0 : i32
        %dma_start3A_51 = arith.constant 0 : i32
        %dma_start3A_52 = tpu.memref_slice %arg9[%dma_start3A_50, %dma_start3A_51] : memref<10240x128xf32, #tpu.memory_space<vmem_shared>> -> memref<10240x128xf32, #tpu.memory_space<vmem_shared>>
        tpu.enqueue_indirect_dma source(%arg8 : memref<128x128xf32, #tpu.memory_space<vmem>>) target(%dma_start3A_52 : memref<10240x128xf32, #tpu.memory_space<vmem_shared>>) offsets(%dma_start3A_49 : memref<128xi32, #tpu.memory_space<vmem>>) semaphore(%run_scoped3A : memref<!tpu.dma_semaphore, #tpu.memory_space<semaphore_mem>>) {add = true}
        %dma_wait3A_53 = arith.constant 0 : i32
        %dma_wait3A_54 = tpu.memref_slice %arg7[%scan3A_34, %dma_wait3A_53] : memref<80x128xi32, #tpu.memory_space<vmem>> -> memref<1x128xi32, #tpu.memory_space<vmem>>
        %dma_wait3A_55 = tpu.memref_squeeze %dma_wait3A_54 : memref<1x128xi32, #tpu.memory_space<vmem>> -> memref<128xi32, #tpu.memory_space<vmem>>
        %dma_wait3A_56 = arith.constant 0 : i32
        %dma_wait3A_57 = arith.constant 0 : i32
        %dma_wait3A_58 = tpu.memref_slice %arg9[%dma_wait3A_56, %dma_wait3A_57] : memref<10240x128xf32, #tpu.memory_space<vmem_shared>> -> memref<10240x128xf32, #tpu.memory_space<vmem_shared>>
        tpu.wait_indirect_dma semaphore(%run_scoped3A : memref<!tpu.dma_semaphore, #tpu.memory_space<semaphore_mem>>) src(%arg8 : memref<128x128xf32, #tpu.memory_space<vmem>>) dst(%dma_wait3A_58 : memref<10240x128xf32, #tpu.memory_space<vmem_shared>>)
        tpu.yield
      }) : () -> ()
      %scan3A_46 = arith.constant 0 : i32
      scf.yield %scan3A_46 : i32
    }
    %scan3A_25 = arith.constant 80 : i32
    %barrier3A_26 = arith.constant 0 : index
    tpu.barrier barrier_id(%barrier3A_26)
    %scan3A_27 = arith.constant 0 : i32
    %scan3A_28 = arith.constant 0 : i32
    %scan3A_29 = arith.constant 5 : i32
    %scan3A_30 = arith.addi %scan3A_28, %scan3A_29 : i32
    %scan3A_31 = arith.constant 1 : i32
    %scan3A_32 = scf.for %scan3A_34 = %scan3A_28 to %scan3A_30 step %scan3A_31 iter_args(%scan3A_35 = %scan3A_27) -> (i32)  : i32 {
      %mul3A_36 = arith.constant 5 : i32
      %mul3A_37 = arith.muli %arg1, %mul3A_36 : i32
      %add3A_38 = arith.addi %mul3A_37, %scan3A_34 : i32
      %mul3A_39 = arith.constant 128 : i32
      %mul3A_40 = arith.muli %add3A_38, %mul3A_39 : i32
      %mul3A_41 = arith.constant 10240 : i32
      %mul3A_42 = arith.muli %arg0, %mul3A_41 : i32
      %add3A_43 = arith.addi %mul3A_42, %mul3A_40 : i32
      "tpu.region"() ({
        %run_scoped3A = tpu.sem_alloc : memref<!tpu.dma_semaphore, #tpu.memory_space<semaphore_mem>>
        %dma_start3A = arith.constant 0 : i32
        %dma_start3A_45 = tpu.memref_slice %arg5[%add3A_43, %dma_start3A] : memref<20480x128xf32, #tpu.memory_space<hbm>> -> memref<128x128xf32, #tpu.memory_space<hbm>>
        %dma_start3A_46 = arith.constant 0 : i32
        %dma_start3A_47 = tpu.memref_slice %arg9[%mul3A_40, %dma_start3A_46] : memref<10240x128xf32, #tpu.memory_space<vmem_shared>> -> memref<128x128xf32, #tpu.memory_space<vmem_shared>>
        tpu.enqueue_dma source(%dma_start3A_47 : memref<128x128xf32, #tpu.memory_space<vmem_shared>>) target(%dma_start3A_45 : memref<128x128xf32, #tpu.memory_space<hbm>>) target_semaphore(%run_scoped3A : memref<!tpu.dma_semaphore, #tpu.memory_space<semaphore_mem>>)
        %dma_wait3A = arith.constant 0 : i32
        %dma_wait3A_48 = tpu.memref_slice %arg5[%add3A_43, %dma_wait3A] : memref<20480x128xf32, #tpu.memory_space<hbm>> -> memref<128x128xf32, #tpu.memory_space<hbm>>
        %dma_wait3A_49 = arith.constant 0 : i32
        %dma_wait3A_50 = tpu.memref_slice %arg9[%mul3A_40, %dma_wait3A_49] : memref<10240x128xf32, #tpu.memory_space<vmem_shared>> -> memref<128x128xf32, #tpu.memory_space<vmem_shared>>
        tpu.wait_dma2 semaphore(%run_scoped3A : memref<!tpu.dma_semaphore, #tpu.memory_space<semaphore_mem>>) src(%dma_wait3A_50 : memref<128x128xf32, #tpu.memory_space<vmem_shared>>) dst(%dma_wait3A_48 : memref<128x128xf32, #tpu.memory_space<hbm>>)
        tpu.yield
      }) : () -> ()
      %scan3A_44 = arith.constant 0 : i32
      scf.yield %scan3A_44 : i32
    }
    %scan3A_33 = arith.constant 5 : i32
    return
  }
}

module attributes {stable_mosaic.version = 14 : i64} {
  func.func @_mlp_body(%arg0: i32, %arg1: memref<1024x128xf32, #tpu.memory_space<vmem>>, %arg2: memref<2x1024x128xf32, #tpu.memory_space<vmem>>, %arg3: memref<128x128xf32, #tpu.memory_space<vmem>>, %arg4: memref<1x128xf32, #tpu.memory_space<vmem>>, %arg5: memref<128x128xf32, #tpu.memory_space<vmem>>, %arg6: memref<1x128xf32, #tpu.memory_space<vmem>>, %arg7: memref<1024x128xf32, #tpu.memory_space<vmem>>) attributes {dimension_semantics = [#tpu.dimension_semantics<arbitrary>], iteration_bounds = array<i64: 10>, scalar_prefetch = 0 : i64, scratch_operands = 0 : i64, tpu.core_type = #tpu.core_type<tc>, window_params = [{transform_indices = @transform_0, window_bounds = array<i64: 1024, 128>}, {transform_indices = @transform_1, window_bounds = array<i64: 2, 1024, 128>}, {pipeline_mode = #tpu.pipeline_mode<synchronous>, transform_indices = @transform_2, window_bounds = array<i64: 128, 128>}, {pipeline_mode = #tpu.pipeline_mode<synchronous>, transform_indices = @transform_3, window_bounds = array<i64: 1, 128>}, {pipeline_mode = #tpu.pipeline_mode<synchronous>, transform_indices = @transform_4, window_bounds = array<i64: 128, 128>}, {pipeline_mode = #tpu.pipeline_mode<synchronous>, transform_indices = @transform_5, window_bounds = array<i64: 1, 128>}, {transform_indices = @transform_6, window_bounds = array<i64: 1024, 128>}]} {
    %get3A = arith.constant 0 : index
    %get3A_0 = arith.constant 0 : index
    %get3A_1 = vector.load %arg1[%get3A, %get3A_0] : memref<1024x128xf32, #tpu.memory_space<vmem>>, vector<1024x128xf32>
    %get3A_2 = arith.constant 0 : index
    %get3A_3 = arith.constant 0 : index
    %get3A_4 = arith.constant 0 : index
    %get3A_5 = vector.load %arg2[%get3A_2, %get3A_3, %get3A_4] : memref<2x1024x128xf32, #tpu.memory_space<vmem>>, vector<1x1024x128xf32>
    %get3A_6 = vector.shape_cast %get3A_5 : vector<1x1024x128xf32> to vector<1024x128xf32>
    %add3A = arith.addf %get3A_1, %get3A_6 : vector<1024x128xf32>
    %get3A_7 = arith.constant 1 : index
    %get3A_8 = arith.constant 0 : index
    %get3A_9 = arith.constant 0 : index
    %get3A_10 = vector.load %arg2[%get3A_7, %get3A_8, %get3A_9] : memref<2x1024x128xf32, #tpu.memory_space<vmem>>, vector<1x1024x128xf32>
    %get3A_11 = vector.shape_cast %get3A_10 : vector<1x1024x128xf32> to vector<1024x128xf32>
    %add3A_12 = arith.addf %add3A, %get3A_11 : vector<1024x128xf32>
    %get3A_13 = arith.constant 0 : index
    %get3A_14 = arith.constant 0 : index
    %get3A_15 = vector.load %arg3[%get3A_13, %get3A_14] : memref<128x128xf32, #tpu.memory_space<vmem>>, vector<128x128xf32>
    %dot_general3A = arith.constant dense<0.000000e+00> : vector<1024x128xf32>
    %dot_general3A_16 = tpu.matmul %add3A_12, %get3A_15, %dot_general3A {dimension_numbers = #tpu.dot_dimension_numbers<[1], [0], [0], [1], [0, 0, 1, 1], [], []>, transpose_lhs_hint = false} : vector<1024x128xf32>, vector<128x128xf32>, vector<1024x128xf32> -> vector<1024x128xf32>
    %get3A_17 = arith.constant 0 : index
    %get3A_18 = arith.constant 0 : index
    %get3A_19 = vector.load %arg4[%get3A_17, %get3A_18] : memref<1x128xf32, #tpu.memory_space<vmem>>, vector<1x128xf32>
    %add3A_20 = vector.broadcast %get3A_19 : vector<1x128xf32> to vector<1024x128xf32>
    %add3A_21 = arith.addf %dot_general3A_16, %add3A_20 : vector<1024x128xf32>
    %max3A = arith.constant 0.000000e+00 : f32
    %max3A_22 = vector.broadcast %max3A : f32 to vector<1024x128xf32>
    %max3A_23 = arith.maximumf %add3A_21, %max3A_22 : vector<1024x128xf32>
    %get3A_24 = arith.constant 0 : index
    %get3A_25 = arith.constant 0 : index
    %get3A_26 = vector.load %arg5[%get3A_24, %get3A_25] : memref<128x128xf32, #tpu.memory_space<vmem>>, vector<128x128xf32>
    %dot_general3A_27 = arith.constant dense<0.000000e+00> : vector<1024x128xf32>
    %dot_general3A_28 = tpu.matmul %max3A_23, %get3A_26, %dot_general3A_27 {dimension_numbers = #tpu.dot_dimension_numbers<[1], [0], [0], [1], [0, 0, 1, 1], [], []>, transpose_lhs_hint = false} : vector<1024x128xf32>, vector<128x128xf32>, vector<1024x128xf32> -> vector<1024x128xf32>
    %get3A_29 = arith.constant 0 : index
    %get3A_30 = arith.constant 0 : index
    %get3A_31 = vector.load %arg6[%get3A_29, %get3A_30] : memref<1x128xf32, #tpu.memory_space<vmem>>, vector<1x128xf32>
    %add3A_32 = vector.broadcast %get3A_31 : vector<1x128xf32> to vector<1024x128xf32>
    %add3A_33 = arith.addf %dot_general3A_28, %add3A_32 : vector<1024x128xf32>
    %max3A_34 = arith.constant 0.000000e+00 : f32
    %max3A_35 = vector.broadcast %max3A_34 : f32 to vector<1024x128xf32>
    %max3A_36 = arith.maximumf %add3A_33, %max3A_35 : vector<1024x128xf32>
    %swap3A = arith.constant 0 : index
    %swap3A_37 = arith.constant 0 : index
    %swap3A_38 = vector.load %arg7[%swap3A, %swap3A_37] : memref<1024x128xf32, #tpu.memory_space<vmem>>, vector<1024x128xf32>
    tpu.vector_store %arg7[%swap3A, %swap3A_37], %max3A_36 {strides = array<i32>} : memref<1024x128xf32, #tpu.memory_space<vmem>>, vector<1024x128xf32>,
    return
  }
  func.func @transform_0(%arg0: i32) -> (i32, i32) {
    %c0_i32 = arith.constant 0 : i32
    %c0_i32_0 = arith.constant 0 : i32
    return %arg0, %c0_i32 : i32, i32
  }
  func.func @transform_1(%arg0: i32) -> (i32, i32, i32) {
    %c0_i32 = arith.constant 0 : i32
    %c0_i32_0 = arith.constant 0 : i32
    %c0_i32_1 = arith.constant 0 : i32
    return %c0_i32, %arg0, %c0_i32_0 : i32, i32, i32
  }
  func.func @transform_2(%arg0: i32) -> (i32, i32) {
    %c0_i32 = arith.constant 0 : i32
    %c0_i32_0 = arith.constant 0 : i32
    %c0_i32_1 = arith.constant 0 : i32
    return %c0_i32, %c0_i32_0 : i32, i32
  }
  func.func @transform_3(%arg0: i32) -> (i32, i32) {
    %c0_i32 = arith.constant 0 : i32
    %c0_i32_0 = arith.constant 0 : i32
    %c0_i32_1 = arith.constant 0 : i32
    return %c0_i32, %c0_i32_0 : i32, i32
  }
  func.func @transform_4(%arg0: i32) -> (i32, i32) {
    %c0_i32 = arith.constant 0 : i32
    %c0_i32_0 = arith.constant 0 : i32
    %c0_i32_1 = arith.constant 0 : i32
    return %c0_i32, %c0_i32_0 : i32, i32
  }
  func.func @transform_5(%arg0: i32) -> (i32, i32) {
    %c0_i32 = arith.constant 0 : i32
    %c0_i32_0 = arith.constant 0 : i32
    %c0_i32_1 = arith.constant 0 : i32
    return %c0_i32, %c0_i32_0 : i32, i32
  }
  func.func @transform_6(%arg0: i32) -> (i32, i32) {
    %c0_i32 = arith.constant 0 : i32
    %c0_i32_0 = arith.constant 0 : i32
    return %arg0, %c0_i32 : i32, i32
  }
}

module attributes {stable_mosaic.version = 14 : i64} {
  func.func @_head_body(%arg0: memref<2x128x128xf32, #tpu.memory_space<vmem>>, %arg1: memref<128x64xf32, #tpu.memory_space<vmem>>, %arg2: memref<1x64xf32, #tpu.memory_space<vmem>>, %arg3: memref<64x1xf32, #tpu.memory_space<vmem>>, %arg4: memref<1x1xf32, #tpu.memory_space<vmem>>, %arg5: memref<128x1xf32, #tpu.memory_space<vmem>>) attributes {dimension_semantics = [], scalar_prefetch = 0 : i64, scratch_operands = 0 : i64, tpu.core_type = #tpu.core_type<tc>} {
    %get3A = arith.constant 0 : index
    %get3A_0 = arith.constant 0 : index
    %get3A_1 = arith.constant 0 : index
    %get3A_2 = vector.load %arg0[%get3A, %get3A_0, %get3A_1] : memref<2x128x128xf32, #tpu.memory_space<vmem>>, vector<1x128x128xf32>
    %get3A_3 = vector.shape_cast %get3A_2 : vector<1x128x128xf32> to vector<128x128xf32>
    %get3A_4 = arith.constant 1 : index
    %get3A_5 = arith.constant 0 : index
    %get3A_6 = arith.constant 0 : index
    %get3A_7 = vector.load %arg0[%get3A_4, %get3A_5, %get3A_6] : memref<2x128x128xf32, #tpu.memory_space<vmem>>, vector<1x128x128xf32>
    %get3A_8 = vector.shape_cast %get3A_7 : vector<1x128x128xf32> to vector<128x128xf32>
    %add3A = arith.addf %get3A_3, %get3A_8 : vector<128x128xf32>
    %get3A_9 = arith.constant 0 : index
    %get3A_10 = arith.constant 0 : index
    %get3A_11 = vector.load %arg1[%get3A_9, %get3A_10] : memref<128x64xf32, #tpu.memory_space<vmem>>, vector<128x64xf32>
    %dot_general3A = arith.constant dense<0.000000e+00> : vector<128x64xf32>
    %dot_general3A_12 = tpu.matmul %add3A, %get3A_11, %dot_general3A {dimension_numbers = #tpu.dot_dimension_numbers<[1], [0], [0], [1], [0, 0, 1, 1], [], []>, transpose_lhs_hint = false} : vector<128x128xf32>, vector<128x64xf32>, vector<128x64xf32> -> vector<128x64xf32>
    %get3A_13 = arith.constant 0 : index
    %get3A_14 = arith.constant 0 : index
    %get3A_15 = vector.load %arg2[%get3A_13, %get3A_14] : memref<1x64xf32, #tpu.memory_space<vmem>>, vector<1x64xf32>
    %add3A_16 = vector.broadcast %get3A_15 : vector<1x64xf32> to vector<128x64xf32>
    %add3A_17 = arith.addf %dot_general3A_12, %add3A_16 : vector<128x64xf32>
    %max3A = arith.constant 0.000000e+00 : f32
    %max3A_18 = vector.broadcast %max3A : f32 to vector<128x64xf32>
    %max3A_19 = arith.maximumf %add3A_17, %max3A_18 : vector<128x64xf32>
    %get3A_20 = arith.constant 0 : index
    %get3A_21 = arith.constant 0 : index
    %get3A_22 = vector.load %arg3[%get3A_20, %get3A_21] : memref<64x1xf32, #tpu.memory_space<vmem>>, vector<64x1xf32>
    %dot_general3A_23 = arith.constant dense<0.000000e+00> : vector<128x1xf32>
    %dot_general3A_24 = tpu.matmul %max3A_19, %get3A_22, %dot_general3A_23 {dimension_numbers = #tpu.dot_dimension_numbers<[1], [0], [0], [1], [0, 0, 1, 1], [], []>, transpose_lhs_hint = false} : vector<128x64xf32>, vector<64x1xf32>, vector<128x1xf32> -> vector<128x1xf32>
    %get3A_25 = arith.constant 0 : index
    %get3A_26 = arith.constant 0 : index
    %get3A_27 = vector.load %arg4[%get3A_25, %get3A_26] : memref<1x1xf32, #tpu.memory_space<vmem>>, vector<1x1xf32>
    %add3A_28 = vector.broadcast %get3A_27 : vector<1x1xf32> to vector<128x1xf32>
    %add3A_29 = arith.addf %dot_general3A_24, %add3A_28 : vector<128x1xf32>
    %swap3A = arith.constant 0 : index
    %swap3A_30 = arith.constant 0 : index
    %swap3A_31 = vector.load %arg5[%swap3A, %swap3A_30] : memref<128x1xf32, #tpu.memory_space<vmem>>, vector<128x1xf32>
    tpu.vector_store %arg5[%swap3A, %swap3A_30], %add3A_29 {strides = array<i32>} : memref<128x1xf32, #tpu.memory_space<vmem>>, vector<128x1xf32>,
    return
  }
}

</mosaic_0001>

<sc_bundles>
// kernel: kernel.10.cloned.1.call-start
scs
__scs_entry_jumppad:
0x0: {  	(pc) =	sbr.rel $0x88, $3  }
0x1: {  	(tag) =	ssettag $0x0;
	lr =	simm.s32 $0x1  }
0x2: {  	[smem:$0x3F86] =	sst lr;
	_ =	strace $0xD0000000  }
0x3: {  	_ = 	snop  }
0x4: {  	_ = 	snop  }
0x5: {  	_ = 	snop  }
0x6: {  	_ = 	snop  }
0x7: {  	_ = 	snop  }
__scs_overlays_trampoline_lowered:
0x8: {  	[smem:$0x3F95] =	sst s0  }
0x9: {  	[smem:$0x3F96] =	sst s1  }
0xa: {  	[smem:$0x3F97] =	sst s2  }
0xb: {  	[smem:$0x3F98] =	sst s3  }
0xc: {  	[smem:$0x3F99] =	sst s4  }
0xd: {  	[smem:$0x3F9A] =	sst s5  }
0xe: {  	[smem:$0x3F9B] =	sst s6  }
0xf: {  	[smem:$0x3F9C] =	sst s7  }
0x10: {  	[smem:$0x3F9D] =	sst s8  }
0x11: {  	[smem:$0x3F9E] =	sst s9;
	s0 =	simm.s32 @!p0 $0x0  }
0x12: {  	s1 =	sld [smem:$0x3F84];
	s0 =	simm.s32 @p0 $0x1  }
0x13: {  	[smem:$0x3F9F] =	sst s0;
	s0 =	simm.s32 @!p1 $0x0  }
0x14: {  	s2 =	sld [smem:$0x3F83];
	s0 =	simm.s32 @p1 $0x1  }
0x15: {  	[smem:$0x3FA0] =	sst s0;
	s0 =	simm.s32 @!p2 $0x0  }
0x16: {  	s3 =	sld [smem:$0x3FDB];
	s0 =	simm.s32 @p2 $0x1  }
0x17: {  	s4 =	simm.s32 $0x1BF5;
	[smem:$0x3FA2] =	sst s0  }
0x18: {  	s0 =	sld [smem:$0x3F85];
	_ =	swait.ge [sflag:s4], $0x0  }
0x19: {  	s7 =	sld [smem:$0x3F86]  }
0x1a: {  	s8 =	sadd.s32 $0xFFFFE003, lr  }
0x1b: {  	s9 =	sadd.s32 $0xFFFFFEF7, lr;
	s5 =	simm.s32 $0xFFFFFFFF;
	p2 =	slt.u32 s8, $0xFFFFF086  }
0x1c: {  	p1 =	slt.u32 s9, $0xF7A;
	s5 =	simm.s32 @!p2 $0x0  }
0x1d: {  	s5 =	simm.s32 @p1 $0x1;
	p0 =	seq.s32 s7, s2  }
0x1e: {  	s7 =	smul.u32 @!p0 $0xF7A, s2;
	p2 =	seq.s32 @!p0 s5, $0x0  }
0x1f: {  	s9 =	smul.u32 $0xF7A, s1;
	s8 =	simm.s32 @!p0 $0x1BF5;
	p2 =	por !p2, p0  }
0x20: {  	[sflag:s8] =	ssyncset.s32 @!p0 $0xFFFFF086;
	s6 =	sadd.s32 @!p0 s3, s7;
	s7 =	simm.s32 @!p0 $0x108  }
0x21: {  	s3 =	sadd.s32 s3, s9;
	s6 =	sadd.s32 @!p0 $0x88, s6;
	s7 =	simm.s32 @p2 $0x1082  }
0x22: {  	[simem:s7], [sflag:s8] =	dma.local @!p0 [hbm:s6], $0xF7A  }
0x23: {  	s9 =	sor.u32 $0xD0000000, s2;
	s6 =	simm.s32 $0x108;
	_ =	swait.ge @!p0 [sflag:s8], $0x0  }
0x24: {  	s3 =	sadd.s32 $0x88, s3;
	s6 =	simm.s32 @!p1 $0x1082;
	[sflag:s4] =	ssyncset.s32 $0xFFFFF086  }
0x25: {  	[simem:s6], [sflag:s4] =	dma.local [hbm:s3], $0xF7A  }
0x26: {  	[smem:$0x3F86] =	sst s1;
	(tag) =	ssettag s2;
	_ =	strace s9  }
0x27: {  	s1 =	sld [smem:$0x3F96]  }
0x28: {  	s2 =	sld [smem:$0x3F97]  }
0x29: {  	s4 =	sld [smem:$0x3F99]  }
0x2a: {  	p0 =	seq.s32 s5, $0x0;
	s5 =	sld [smem:$0x3F9A]  }
0x2b: {  	s6 =	sld [smem:$0x3F9B]  }
0x2c: {  	s7 =	sld [smem:$0x3F9C]  }
0x2d: {  	s3 =	simm.s32 $0x108;
	s8 =	sld [smem:$0x3F9D]  }
0x2e: {  	s3 =	simm.s32 @!p0 $0x1082;
	s9 =	sld [smem:$0x3F9E]  }
0x2f: {  	lr =	sadd.s32 s0, s3;
	s0 =	sld [smem:$0x3F95]  }
0x30: {  	s3 =	sld [smem:$0x3F98]  }
0x31: {  	[smem:$0x3FA1] =	sst s10  }
0x32: {  	s10 =	sld [smem:$0x3F9F];
	_ =	sdelay $0x3  }
0x33: {  	p0 =	seq.s32 s10, $0x1;
	s10 =	sld [smem:$0x3FA1];
	_ =	sdelay $0x3  }
0x34: {  	[smem:$0x3FA1] =	sst s10  }
0x35: {  	s10 =	sld [smem:$0x3FA0];
	_ =	sdelay $0x3  }
0x36: {  	p1 =	seq.s32 s10, $0x1;
	s10 =	sld [smem:$0x3FA1];
	_ =	sdelay $0x3  }
0x37: {  	[smem:$0x3FA1] =	sst s10  }
0x38: {  	s10 =	sld [smem:$0x3FA2]  }
0x39: {  	_ = 	snop;
	(pc) =	sbr.ind lr, $3  }
0x3a: {  	_ = 	snop  }
0x3b: {  	_ = 	snop  }
0x3c: {  	p2 =	seq.s32 s10, $0x1;
	s10 =	sld [smem:$0x3FA1]  }
0x3d: {  	_ =	shalt  }
0x3e: {  	_ =	shalt  }
0x3f: {  	_ =	shalt  }
0x40: {  	_ =	shalt  }
0x41: {  	_ =	shalt  }
0x42: {  	_ =	shalt  }
0x43: {  	_ =	shalt  }
0x44: {  	_ =	shalt  }
0x45: {  	_ =	shalt  }
0x46: {  	_ =	shalt  }
0x47: {  	_ =	shalt  }
0x48: {  	_ =	shalt  }
0x49: {  	_ =	shalt  }
0x4a: {  	_ =	shalt  }
0x4b: {  	_ =	shalt  }
0x4c: {  	_ =	shalt  }
0x4d: {  	_ =	shalt  }
0x4e: {  	_ =	shalt  }
0x4f: {  	_ =	shalt  }
0x50: {  	_ =	shalt  }
0x51: {  	_ =	shalt  }
0x52: {  	_ =	shalt  }
0x53: {  	_ =	shalt  }
0x54: {  	_ =	shalt  }
0x55: {  	_ =	shalt  }
0x56: {  	_ =	shalt  }
0x57: {  	_ =	shalt  }
0x58: {  	_ =	shalt  }
0x59: {  	_ =	shalt  }
0x5a: {  	_ =	shalt  }
0x5b: {  	_ =	shalt  }
0x5c: {  	_ =	shalt  }
0x5d: {  	_ =	shalt  }
0x5e: {  	_ =	shalt  }
0x5f: {  	_ =	shalt  }
0x60: {  	_ =	shalt  }
0x61: {  	_ =	shalt  }
0x62: {  	_ =	shalt  }
0x63: {  	_ =	shalt  }
0x64: {  	_ =	shalt  }
0x65: {  	_ =	shalt  }
0x66: {  	_ =	shalt  }
0x67: {  	_ =	shalt  }
0x68: {  	_ =	shalt  }
0x69: {  	_ =	shalt  }
0x6a: {  	_ =	shalt  }
0x6b: {  	_ =	shalt  }
0x6c: {  	_ =	shalt  }
0x6d: {  	_ =	shalt  }
0x6e: {  	_ =	shalt  }
0x6f: {  	_ =	shalt  }
0x70: {  	_ =	shalt  }
0x71: {  	_ =	shalt  }
0x72: {  	_ =	shalt  }
0x73: {  	_ =	shalt  }
0x74: {  	_ =	shalt  }
0x75: {  	_ =	shalt  }
0x76: {  	_ =	shalt  }
0x77: {  	_ =	shalt  }
0x78: {  	_ =	shalt  }
0x79: {  	_ =	shalt  }
0x7a: {  	_ =	shalt  }
0x7b: {  	_ =	shalt  }
0x7c: {  	_ =	shalt  }
0x7d: {  	_ =	shalt  }
0x7e: {  	_ =	shalt  }
0x7f: {  	_ =	shalt  }
0x80: {  	_ =	shalt  }
0x81: {  	_ =	shalt  }
0x82: {  	_ =	shalt  }
0x83: {  	_ =	shalt  }
0x84: {  	_ =	shalt  }
0x85: {  	_ =	shalt  }
0x86: {  	_ =	shalt  }
0x87: {  	_ =	shalt  }
.Lfunc_end0:
.L_simem_size_0:
called_computation_lowered:
.L_overlay_start_0:
0x88: {  	s2 =	sld [smem:$0x3FD9]  }
0x89: {  	s3 =	sld [smem:$0x3FFE];
	_ =	sdelay $0x1  }
0x8a: {  	s1 =	srdreg.scid  }
0x8b: {  	s0 =	sand.u32 $0x1, s1  }
0x8c: {  	s16 =	sshll.u32 s0, $0xA;
	s2 =	sadd.s32 s3, s2  }
0x8d: {  	s2 =	sadd.s32 s2, s16  }
0x8e: {  	[smem:$0x3FAD] =	sst s2  }
0x8f: {  	_ = 	snop  }
0x90: {  	(tm) =	ssettm $0x1  }
0x91: {  	s17 =	sld [smem:$0x3FFB];
	_ =	sdelay $0x3  }
0x92: {  	_ =	strace s17  }
0x93: {  	s2 =	sld [smem:$0x3FFC];
	_ =	sdelay $0x3  }
0x94: {  	_ =	strace s2  }
0x95: {  	s2 =	sld [smem:$0x3FFD];
	_ =	sdelay $0x3  }
0x96: {  	_ =	strace s2  }
0x97: {  	_ =	strace $0x8FFFFFFF  }
0x98: {  	s18 =	sld [smem:$0x3FDB];
	_ =	sdelay $0x1  }
0x99: {  	s19 =	simm.s32 $_scs_section_size  }
0x9a: {  	s4 =	simm.s32 $_size__tile_overlayer_lowered;
	s5 =	simm.s32 $_tile_overlayer_lowered  }
0x9b: {  	s22 =	simm.s32 $0x1BFF;
	s21 =	sshll.u32 s5, $0x1;
	s2 =	sadd.s32 s19, s18  }
0x9c: {  	s6 =	simm.s32 $0x0;
	s20 =	sshll.u32 s4, $0x1;
	s4 =	sadd.s32 s21, s2  }
0x9d: {  	[timem:s6], [sflag:s22] =	dma.local [hbm:s4], s20  }
0x9e: {  	_ =	swait.ge [sflag:s22], s20  }
0x9f: {  	s3 =	ssub.s32 $0x0, s20;
	[sflag:s22] =	ssyncset.done $0x0  }
0xa0: {  	[sflag:s22] =	ssyncadd.s32 s3;
	_ =	sdelay $0x1  }
0xa1: {  	s23 =	simm.s32 $0x1B8B  }
0xa2: {  	_ =	swait.ge [sflag:s23], $0x1  }
0xa3: {  	[sflag:s23] =	ssyncset.done $0x0  }
0xa4: {  	s25 =	simm.s32 $0x1B8E;
	s24 =	sld [smem:$0x3FFE];
	[sflag:s23] =	ssyncadd.s32 $0xFFFFFFFF  }
0xa5: {  	s26 =	simm.s32 $execute0_lowered;
	[smem:$0x3FD2] =	sst s25  }
0xa6: {  	s4 =	sshll.u32 s26, $0x1;
	_ =	strace $0x80000046;
	[dreg:$0x1] =	wrdreg $0xFFFFFFFF  }
0xa7: {  	s28 =	simm.s32 $_size_execute0_lowered;
	s2 =	sadd.s32 s2, s4;
	[dreg:$0x0] =	wrdreg $0x0  }
0xa8: {  	s4 =	sshll.u32 s28, $0x1;
	[dreg:$0x2] =	wrdreg s2  }
0xa9: {  	[dreg:$0x3] =	wrdreg s4  }
0xaa: {  	[dreg:$0x4] =	wrdreg $0xC0  }
0xab: {  	_ =	task [dreg:s6], $0x5FFFF  }
0xac: {  	[dreg:$0x1] =	wrdreg $0xFFFFFFFF  }
0xad: {  	[dreg:$0x0] =	wrdreg $0x60  }
0xae: {  	[dreg:$0x2] =	wrdreg s24  }
0xaf: {  	[dreg:$0x3] =	wrdreg $0x90000  }
0xb0: {  	[dreg:$0x4] =	wrdreg $0x9  }
0xb1: {  	_ =	task.clear_ibuf [dreg:s6], $0x5FFFF;
	_ =	strace $0x90000046  }
0xb2: {  	s29 =	simm.s32 $0x9;
	_ =	strace $0x80000048  }
0xb3: {  	_ =	swait.ge [sflag:s29], $0x1  }
0xb4: {  	[sflag:s29] =	ssyncadd.s32 $0xFFFFFFFF  }
0xb5: {  	_ =	strace $0x90000048  }
0xb6: {  	_ =	sfence  }
0xb7: {  	s30 =	sld [smem:$0x0];
	_ =	sdelay $0x2  }
0xb8: {  	s31 =	sshll.u32 s1, $0xD;
	s1 =	sshrl.u32 s1, $0x2  }
0xb9: {  	s3 =	sand.u32 $0x4000, s31;
	s1 =	sadd.s32 s1, s30  }
0xba: {  	s0 =	sor.u32 s3, s0;
	s1 =	sshll.u32 s1, $0x11  }
0xbb: {  	s0 =	sor.u32 s1, s0  }
0xbc: {  	s0 =	sadd.s32 $0x8F2B, s0  }
0xbd: {  	[sflag:s0] =	ssyncadd.remote.s32 $0x1  }
0xbe: {  	_ =	sfence.sel $0xFFFF  }
0xbf: {  	[dreg:$0x0] =	wrdreg $0xFFFFFFFF;
	(pc) =	sbr.abs _section_cstart, $3  }
0xc0: {  	[dreg:$0x1] =	wrdreg $0xFFFFFFFF  }
0xc1: {  	_ =	task.clear_ibuf [dreg:s6], $0x2FFFF;
	_ =	strace $0x9FFFFFFF  }
0xc2: {  	(tm) =	ssettm $0x7FFFFFFF  }
0xc3: {  	_ =	shalt  }
tec
execute0_lowered:
.L_overlay_start_1:
0x0: {  	(tag) =	ssettag $0x1  }
0x1: {  	s5 =	rddreg [dreg:$0x0]  }
0x2: {  	s0 =	srdreg.scid;
	s2 =	rddreg [dreg:$0x1]  }
0x3: {  	s3 =	simm.s32 $0x0;
	s20 =	simm.s32 $0x2800;
	s21 =	simm.s32 $0x80  }
0x4: {  	s22 =	simm.s32 $0x1;
	s4 =	sand.u32 $0x1, s0;
	s0 =	stileid.u32  }
0x5: {  	[smem:$0x7FF] =	sst s3;
	s17 =	sadd.s32 $0x41E00, s5;
	s15 =	smul.u32 $0x140000, s4  }
0x6: {  	s1 =	sshll.u32 s4, $0x4;
	s7 =	ssub.s32 $0x2, s4;
	s8 =	smul.u32 $0x50000, s0  }
0x7: {  	s4 =	sadd.s32 $0x19E00, s5;
	s12 =	smul.u32 $0x14000, s0;
	s6 =	sor.u32 s0, s1  }
0x8: {  	s1 =	rddreg [dreg:$0x2];
	_ =	strace $0x80000047;
	s9 =	sshrl.u32 s7, $0x1  }
0x9: {  	s6 =	smul.u32 $0x500, s6;
	s9 =	ssub.s32 s7, s9;
	s29 =	sshrl.u32 s8, $0x2  }
0xa: {  	s30 =	sadd.s32 s15, s12;
	s13 =	sadd.s32 $0x4000, s12;
	s16 =	sadd.s32 $0x8000, s12  }
0xb: {  	s18 =	sadd.s32 $0xC000, s12;
	s19 =	sadd.s32 $0x10000, s12;
	s7 =	sadd.s32 s29, s2  }
0xc: {  	s8 =	sshrl.u32 s30, $0x3;
	s9 =	smax.u32 s9, $0x1;
	s10 =	sadd.s32 s13, s2  }
0xd: {  	s11 =	sadd.s32 s16, s2;
	s14 =	sadd.s32 s15, s13;
	s12 =	sadd.s32 s18, s2  }
0xe: {  	s13 =	sadd.s32 s19, s2;
	s16 =	sadd.s32 s15, s16;
	s18 =	sadd.s32 s15, s18  }
0xf: {  	s19 =	sadd.s32 s15, s19;
	s6 =	sadd.s32 s6, s5;
	s8 =	sadd.s32 s17, s8  }
0x10: {  	s14 =	sshrl.u32 s14, $0x3;
	s16 =	sshrl.u32 s16, $0x3;
	s18 =	sshrl.u32 s18, $0x3  }
0x11: {  	s31 =	sshrl.u32 s19, $0x3;
	s19 =	simm.s32 $0x2;
	s5 =	sadd.s32 $0xFE00, s6  }
0x12: {  	s6 =	sadd.s32 $0x5E00, s6;
	s14 =	sadd.s32 s17, s14;
	s15 =	sadd.s32 s17, s16  }
0x13: {  	v0 =	vimm.f32 $0.0e+00;
	s16 =	sadd.s32 s17, s18;
	s17 =	sadd.s32 s17, s31;
	s18 =	simm.s32 $0x5000  }
.LBB2_1:
0x14: {  	s23 =	simm.s32 $0x0;
	s24 =	simm.s32 $0x200  }
.LBB2_2:
0x15: {  	p0 =	sne.s32 s24, $0xFE00;
	[tilespmem:s23+$0x5070] =	vst v0  }
0x16: {  	[tilespmem:s23+$0x5000] =	vst v0  }
0x17: {  	[tilespmem:s23+$0x5010] =	vst v0  }
.Ltmp0:
0x18: {  	[tilespmem:s23+$0x5020] =	vst v0;
	(pc) =	sbr.rel @p0 .LBB2_2-.Ltmp0, $4  }
0x19: {  	[tilespmem:s23+$0x5030] =	vst v0  }
0x1a: {  	[tilespmem:s23+$0x5040] =	vst v0  }
0x1b: {  	[tilespmem:s23+$0x5050] =	vst v0  }
0x1c: {  	[tilespmem:s23+$0x5060] =	vst v0;
	s23 =	sshra.s32 s24, $0x2;
	s24 =	sadd.s32 $0x200, s24  }
0x1d: {  	[tilespmem:s23+$0x5070] =	vst v0  }
0x1e: {  	[tilespmem:s23+$0x5000] =	vst v0  }
0x1f: {  	[tilespmem:s23+$0x5010] =	vst v0  }
0x20: {  	[tilespmem:s23+$0x5020] =	vst v0  }
0x21: {  	[tilespmem:s23+$0x5030] =	vst v0  }
0x22: {  	[tilespmem:s23+$0x5040] =	vst v0  }
0x23: {  	[tilespmem:s23+$0x5050] =	vst v0  }
0x24: {  	[tilespmem:s23+$0x5060] =	vst v0  }
0x25: {  	[spmem:s7] =	stream.linear.scatter [tilespmem:s18], [sflag:$0x2], $0x4000, $0x38;
	[tilespmem:$0x1D000] =	vst v63  }
0x26: {  	_ =	swait.ge [sflag:s19], $0x4000  }
0x27: {  	[sflag:s19] =	ssyncset.done $0x0  }
0x28: {  	[sflag:s19] =	ssyncadd.s32 $0xFFFFC000  }
0x29: {  	[spmem:s10] =	stream.linear.scatter [tilespmem:s18], [sflag:$0x2], $0x4000, $0x38;
	[tilespmem:$0x1D000] =	vst v63  }
0x2a: {  	_ =	swait.ge [sflag:s19], $0x4000  }
0x2b: {  	[sflag:s19] =	ssyncset.done $0x0  }
0x2c: {  	[sflag:s19] =	ssyncadd.s32 $0xFFFFC000  }
0x2d: {  	[spmem:s11] =	stream.linear.scatter [tilespmem:s18], [sflag:$0x2], $0x4000, $0x38;
	[tilespmem:$0x1D000] =	vst v63  }
0x2e: {  	_ =	swait.ge [sflag:s19], $0x4000  }
0x2f: {  	[sflag:s19] =	ssyncset.done $0x0  }
0x30: {  	[sflag:s19] =	ssyncadd.s32 $0xFFFFC000  }
0x31: {  	[spmem:s12] =	stream.linear.scatter [tilespmem:s18], [sflag:$0x2], $0x4000, $0x38;
	[tilespmem:$0x1D000] =	vst v63  }
0x32: {  	_ =	swait.ge [sflag:s19], $0x4000  }
0x33: {  	[sflag:s19] =	ssyncset.done $0x0  }
0x34: {  	[sflag:s19] =	ssyncadd.s32 $0xFFFFC000  }
0x35: {  	[spmem:s13] =	stream.linear.scatter [tilespmem:s18], [sflag:$0x2], $0x4000, $0x38;
	[tilespmem:$0x1D000] =	vst v63  }
0x36: {  	_ =	swait.ge [sflag:s19], $0x4000  }
0x37: {  	[sflag:s19] =	ssyncset.done $0x0  }
0x38: {  	s29 =	simm.s32 $0x0;
	[sflag:s19] =	ssyncadd.s32 $0xFFFFC000  }
0x39: {  	[tilespmem:s29], [sflag:$0x2] =	stream.linear.gather [hbm4b:s5+s29], $0x2800, $0x38;
	[tilespmem:$0x1D000] =	vst v63  }
0x3a: {  	_ =	swait.ge [sflag:s19], $0x2800  }
0x3b: {  	[sflag:s19] =	ssyncset.done $0x0  }
0x3c: {  	[sflag:s19] =	ssyncadd.s32 $0xFFFFD800  }
0x3d: {  	[tilespmem:s20], [sflag:$0x2] =	stream.linear.gather [hbm4b:s6+s29], $0x2800, $0x38;
	[tilespmem:$0x1D000] =	vst v63  }
0x3e: {  	_ =	swait.ge [sflag:s19], $0x2800  }
0x3f: {  	[sflag:s19] =	ssyncset.done $0x0  }
0x40: {  	[sflag:s19] =	ssyncadd.s32 $0xFFFFD800  }
0x41: {  	s30 =	simm.s32 $0x0;
	[bflag:$0x0] =	sbarrier.arrive $0xFFFF  }
0x42: {  	[tilespmem:s18], [sflag:$0x1] =	stream.indirect.gather [hbm4b:s4+s21], $0x80, s30, s21, $0xb8;
	[tilespmem:$0x1D000] =	vst v63  }
0x43: {  	_ =	swait.ge [sflag:s22], $0x4000  }
0x44: {  	[sflag:s22] =	ssyncset.done $0x0  }
0x45: {  	s31 =	simm.s32 $0x2800;
	[sflag:s22] =	ssyncadd.s32 $0xFFFFC000  }
0x46: {  	[spmem:s2] =	stream.indirect.scatter.add.f32 [tilespmem:s18], [sflag:$0x2], $0x80, s31, s21, $0xb8;
	[tilespmem:$0x1D000] =	vst v63  }
0x47: {  	_ =	swait.ge [sflag:s19], $0x4000  }
0x48: {  	s23 =	simm.s32 $0x200;
	s24 =	simm.s32 $0x400;
	[sflag:s19] =	ssyncset.done $0x0  }
.LBB2_4:
0x49: {  	s25 =	sshra.s32 s23, $0x2  }
0x4a: {  	[sflag:s19] =	ssyncadd.s32 $0xFFFFC000;
	s23 =	smov.u32 s24;
	s26 =	sadd.s32 $0x200, s24  }
0x4b: {  	[tilespmem:s18], [sflag:$0x1] =	stream.indirect.gather [hbm4b:s4+s21], $0x80, s25, s21, $0xb8;
	[tilespmem:$0x1D000] =	vst v63  }
0x4c: {  	p0 =	sne.s32 s24, $0x9E00;
	_ =	swait.ge [sflag:s22], $0x4000  }
.Ltmp1:
0x4d: {  	[sflag:s22] =	ssyncset.done $0x0;
	(pc) =	sbr.rel @p0 .LBB2_4-.Ltmp1, $4  }
0x4e: {  	s24 =	sadd.s32 $0x2800, s25;
	[sflag:s22] =	ssyncadd.s32 $0xFFFFC000  }
0x4f: {  	[spmem:s2] =	stream.indirect.scatter.add.f32 [tilespmem:s18], [sflag:$0x2], $0x80, s24, s21, $0xb8;
	[tilespmem:$0x1D000] =	vst v63  }
0x50: {  	_ =	swait.ge [sflag:s19], $0x4000  }
0x51: {  	s24 =	smov.u32 s26;
	[sflag:s19] =	ssyncset.done $0x0  }
0x52: {  	s23 =	sshra.s32 s23, $0x2;
	[sflag:s19] =	ssyncadd.s32 $0xFFFFC000  }
0x53: {  	[tilespmem:s18], [sflag:$0x1] =	stream.indirect.gather [hbm4b:s4+s21], $0x80, s23, s21, $0xb8;
	[tilespmem:$0x1D000] =	vst v63  }
0x54: {  	_ =	swait.ge [sflag:s22], $0x4000  }
0x55: {  	[sflag:s22] =	ssyncset.done $0x0  }
0x56: {  	s23 =	sadd.s32 $0x2800, s23;
	[sflag:s22] =	ssyncadd.s32 $0xFFFFC000  }
0x57: {  	[spmem:s2] =	stream.indirect.scatter.add.f32 [tilespmem:s18], [sflag:$0x2], $0x80, s23, s21, $0xb8;
	[tilespmem:$0x1D000] =	vst v63  }
0x58: {  	_ =	swait.ge [sflag:s19], $0x4000  }
0x59: {  	[sflag:s19] =	ssyncset.done $0x0  }
0x5a: {  	s26 =	sshll.u32 s0, $0x6;
	[sflag:s19] =	ssyncadd.s32 $0xFFFFC000  }
0x5b: {  	s24 =	sshrl.u32 s7, $0x3;
	s23 =	sor.u32 $0x1C02, s26;
	[bflag:$0x0] =	sbarrier.arrive $0xFFFF  }
0x5c: {  	[hbm:s8], [sflag:s23] =	dma.local [spmem:s24], $0x800  }
0x5d: {  	_ =	swait.ge [sflag:s19], $0x800  }
0x5e: {  	[sflag:s19] =	ssyncset.done $0x0  }
0x5f: {  	s28 =	sshrl.u32 s10, $0x3;
	[sflag:s19] =	ssyncadd.s32 $0xFFFFF800  }
0x60: {  	[hbm:s14], [sflag:s23] =	dma.local [spmem:s28], $0x800  }
0x61: {  	_ =	swait.ge [sflag:s19], $0x800  }
0x62: {  	[sflag:s19] =	ssyncset.done $0x0  }
0x63: {  	s29 =	sshrl.u32 s11, $0x3;
	[sflag:s19] =	ssyncadd.s32 $0xFFFFF800  }
0x64: {  	[hbm:s15], [sflag:s23] =	dma.local [spmem:s29], $0x800  }
0x65: {  	_ =	swait.ge [sflag:s19], $0x800  }
0x66: {  	[sflag:s19] =	ssyncset.done $0x0  }
0x67: {  	s30 =	sshrl.u32 s12, $0x3;
	[sflag:s19] =	ssyncadd.s32 $0xFFFFF800  }
0x68: {  	[hbm:s16], [sflag:s23] =	dma.local [spmem:s30], $0x800  }
0x69: {  	s3 =	sadd.s32 $0x1, s3;
	_ =	swait.ge [sflag:s19], $0x800  }
0x6a: {  	p0 =	sne.s32 s3, s9;
	[sflag:s19] =	ssyncset.done $0x0  }
.Ltmp2:
0x6b: {  	s31 =	sshrl.u32 s13, $0x3;
	[sflag:s19] =	ssyncadd.s32 $0xFFFFF800;
	(pc) =	sbr.rel @p0 .LBB2_1-.Ltmp2, $4  }
0x6c: {  	[hbm:s17], [sflag:s23] =	dma.local [spmem:s31], $0x800  }
0x6d: {  	_ =	swait.ge [sflag:s19], $0x800  }
0x6e: {  	[sflag:s19] =	ssyncset.done $0x0  }
0x6f: {  	[sflag:s19] =	ssyncadd.s32 $0xFFFFF800  }
0x70: {  	_ =	sfence.sel $0x180000  }
0x71: {  	[bflag:$0x0] =	sbarrier.arrive $0xFFFF  }
0x72: {  	p0 =	sne.s32 s0, $0x0;
	_ =	strace $0x90000047  }
0x73: {  	s0 =	sadd.s32 @!p0 $0x100000, s1;
	[bflag:$0x2] =	sbarrier.arrive $0xFFFF  }
0x74: {  	[sflag:s0] =	ssyncadd.tile.s32 @!p0 $0x1;
	_ =	shalt  }
.Lfunc_end2:
_tile_overlayer_lowered:
.L_overlay_start_2:
0x75: {  	(tag) =	ssettag $0x2  }
0x76: {  	s0 =	rddreg [dreg:$0x0];
	s2 =	stileid.u32  }
0x77: {  	s1 =	rddreg [dreg:$0x1];
	p0 =	sne.s32 s2, $0x0  }
0x78: {  	s3 =	rddreg [dreg:$0x2];
	[bflag:$0x3] =	sbarrier.arrive $0xFFFF;
	s2 =	simm.s32 @!p0 $0x1C02  }
0x79: {  	[timem:s3], [sflag:s2] =	dma.local @!p0 [hbm:s0], s1  }
0x7a: {  	s0 =	simm.s32 @!p0 $0x2  }
0x7b: {  	_ =	swait.ge @!p0 [sflag:s0], s1  }
0x7c: {  	s1 =	ssub.s32 @!p0 $0x0, s1;
	[sflag:s0] =	ssyncset.done @!p0 $0x0  }
0x7d: {  	[sflag:s0] =	ssyncadd.s32 @!p0 s1  }
0x7e: {  	[bflag:$0x3] =	sbarrier.arrive $0xFFFF  }
0x7f: {  	_ =	shalt  }

// kernel: kernel.13.cloned.1.call-start
scs
__scs_entry_jumppad:
0x0: {  	(pc) =	sbr.rel $0x88, $3  }
0x1: {  	(tag) =	ssettag $0x0;
	lr =	simm.s32 $0x1  }
0x2: {  	[smem:$0x3F86] =	sst lr;
	_ =	strace $0xD0000000  }
0x3: {  	_ = 	snop  }
0x4: {  	_ = 	snop  }
0x5: {  	_ = 	snop  }
0x6: {  	_ = 	snop  }
0x7: {  	_ = 	snop  }
__scs_overlays_trampoline_lowered:
0x8: {  	[smem:$0x3F95] =	sst s0  }
0x9: {  	[smem:$0x3F96] =	sst s1  }
0xa: {  	[smem:$0x3F97] =	sst s2  }
0xb: {  	[smem:$0x3F98] =	sst s3  }
0xc: {  	[smem:$0x3F99] =	sst s4  }
0xd: {  	[smem:$0x3F9A] =	sst s5  }
0xe: {  	[smem:$0x3F9B] =	sst s6  }
0xf: {  	[smem:$0x3F9C] =	sst s7  }
0x10: {  	[smem:$0x3F9D] =	sst s8  }
0x11: {  	[smem:$0x3F9E] =	sst s9;
	s0 =	simm.s32 @!p0 $0x0  }
0x12: {  	s1 =	sld [smem:$0x3F84];
	s0 =	simm.s32 @p0 $0x1  }
0x13: {  	[smem:$0x3F9F] =	sst s0;
	s0 =	simm.s32 @!p1 $0x0  }
0x14: {  	s2 =	sld [smem:$0x3F83];
	s0 =	simm.s32 @p1 $0x1  }
0x15: {  	[smem:$0x3FA0] =	sst s0;
	s0 =	simm.s32 @!p2 $0x0  }
0x16: {  	s3 =	sld [smem:$0x3FDB];
	s0 =	simm.s32 @p2 $0x1  }
0x17: {  	s4 =	simm.s32 $0x1BF5;
	[smem:$0x3FA2] =	sst s0  }
0x18: {  	s0 =	sld [smem:$0x3F85];
	_ =	swait.ge [sflag:s4], $0x0  }
0x19: {  	s7 =	sld [smem:$0x3F86]  }
0x1a: {  	s8 =	sadd.s32 $0xFFFFE003, lr  }
0x1b: {  	s9 =	sadd.s32 $0xFFFFFEF7, lr;
	s5 =	simm.s32 $0xFFFFFFFF;
	p2 =	slt.u32 s8, $0xFFFFF086  }
0x1c: {  	p1 =	slt.u32 s9, $0xF7A;
	s5 =	simm.s32 @!p2 $0x0  }
0x1d: {  	s5 =	simm.s32 @p1 $0x1;
	p0 =	seq.s32 s7, s2  }
0x1e: {  	s7 =	smul.u32 @!p0 $0xF7A, s2;
	p2 =	seq.s32 @!p0 s5, $0x0  }
0x1f: {  	s9 =	smul.u32 $0xF7A, s1;
	s8 =	simm.s32 @!p0 $0x1BF5;
	p2 =	por !p2, p0  }
0x20: {  	[sflag:s8] =	ssyncset.s32 @!p0 $0xFFFFF086;
	s6 =	sadd.s32 @!p0 s3, s7;
	s7 =	simm.s32 @!p0 $0x108  }
0x21: {  	s3 =	sadd.s32 s3, s9;
	s6 =	sadd.s32 @!p0 $0x88, s6;
	s7 =	simm.s32 @p2 $0x1082  }
0x22: {  	[simem:s7], [sflag:s8] =	dma.local @!p0 [hbm:s6], $0xF7A  }
0x23: {  	s9 =	sor.u32 $0xD0000000, s2;
	s6 =	simm.s32 $0x108;
	_ =	swait.ge @!p0 [sflag:s8], $0x0  }
0x24: {  	s3 =	sadd.s32 $0x88, s3;
	s6 =	simm.s32 @!p1 $0x1082;
	[sflag:s4] =	ssyncset.s32 $0xFFFFF086  }
0x25: {  	[simem:s6], [sflag:s4] =	dma.local [hbm:s3], $0xF7A  }
0x26: {  	[smem:$0x3F86] =	sst s1;
	(tag) =	ssettag s2;
	_ =	strace s9  }
0x27: {  	s1 =	sld [smem:$0x3F96]  }
0x28: {  	s2 =	sld [smem:$0x3F97]  }
0x29: {  	s4 =	sld [smem:$0x3F99]  }
0x2a: {  	p0 =	seq.s32 s5, $0x0;
	s5 =	sld [smem:$0x3F9A]  }
0x2b: {  	s6 =	sld [smem:$0x3F9B]  }
0x2c: {  	s7 =	sld [smem:$0x3F9C]  }
0x2d: {  	s3 =	simm.s32 $0x108;
	s8 =	sld [smem:$0x3F9D]  }
0x2e: {  	s3 =	simm.s32 @!p0 $0x1082;
	s9 =	sld [smem:$0x3F9E]  }
0x2f: {  	lr =	sadd.s32 s0, s3;
	s0 =	sld [smem:$0x3F95]  }
0x30: {  	s3 =	sld [smem:$0x3F98]  }
0x31: {  	[smem:$0x3FA1] =	sst s10  }
0x32: {  	s10 =	sld [smem:$0x3F9F];
	_ =	sdelay $0x3  }
0x33: {  	p0 =	seq.s32 s10, $0x1;
	s10 =	sld [smem:$0x3FA1];
	_ =	sdelay $0x3  }
0x34: {  	[smem:$0x3FA1] =	sst s10  }
0x35: {  	s10 =	sld [smem:$0x3FA0];
	_ =	sdelay $0x3  }
0x36: {  	p1 =	seq.s32 s10, $0x1;
	s10 =	sld [smem:$0x3FA1];
	_ =	sdelay $0x3  }
0x37: {  	[smem:$0x3FA1] =	sst s10  }
0x38: {  	s10 =	sld [smem:$0x3FA2]  }
0x39: {  	_ = 	snop;
	(pc) =	sbr.ind lr, $3  }
0x3a: {  	_ = 	snop  }
0x3b: {  	_ = 	snop  }
0x3c: {  	p2 =	seq.s32 s10, $0x1;
	s10 =	sld [smem:$0x3FA1]  }
0x3d: {  	_ =	shalt  }
0x3e: {  	_ =	shalt  }
0x3f: {  	_ =	shalt  }
0x40: {  	_ =	shalt  }
0x41: {  	_ =	shalt  }
0x42: {  	_ =	shalt  }
0x43: {  	_ =	shalt  }
0x44: {  	_ =	shalt  }
0x45: {  	_ =	shalt  }
0x46: {  	_ =	shalt  }
0x47: {  	_ =	shalt  }
0x48: {  	_ =	shalt  }
0x49: {  	_ =	shalt  }
0x4a: {  	_ =	shalt  }
0x4b: {  	_ =	shalt  }
0x4c: {  	_ =	shalt  }
0x4d: {  	_ =	shalt  }
0x4e: {  	_ =	shalt  }
0x4f: {  	_ =	shalt  }
0x50: {  	_ =	shalt  }
0x51: {  	_ =	shalt  }
0x52: {  	_ =	shalt  }
0x53: {  	_ =	shalt  }
0x54: {  	_ =	shalt  }
0x55: {  	_ =	shalt  }
0x56: {  	_ =	shalt  }
0x57: {  	_ =	shalt  }
0x58: {  	_ =	shalt  }
0x59: {  	_ =	shalt  }
0x5a: {  	_ =	shalt  }
0x5b: {  	_ =	shalt  }
0x5c: {  	_ =	shalt  }
0x5d: {  	_ =	shalt  }
0x5e: {  	_ =	shalt  }
0x5f: {  	_ =	shalt  }
0x60: {  	_ =	shalt  }
0x61: {  	_ =	shalt  }
0x62: {  	_ =	shalt  }
0x63: {  	_ =	shalt  }
0x64: {  	_ =	shalt  }
0x65: {  	_ =	shalt  }
0x66: {  	_ =	shalt  }
0x67: {  	_ =	shalt  }
0x68: {  	_ =	shalt  }
0x69: {  	_ =	shalt  }
0x6a: {  	_ =	shalt  }
0x6b: {  	_ =	shalt  }
0x6c: {  	_ =	shalt  }
0x6d: {  	_ =	shalt  }
0x6e: {  	_ =	shalt  }
0x6f: {  	_ =	shalt  }
0x70: {  	_ =	shalt  }
0x71: {  	_ =	shalt  }
0x72: {  	_ =	shalt  }
0x73: {  	_ =	shalt  }
0x74: {  	_ =	shalt  }
0x75: {  	_ =	shalt  }
0x76: {  	_ =	shalt  }
0x77: {  	_ =	shalt  }
0x78: {  	_ =	shalt  }
0x79: {  	_ =	shalt  }
0x7a: {  	_ =	shalt  }
0x7b: {  	_ =	shalt  }
0x7c: {  	_ =	shalt  }
0x7d: {  	_ =	shalt  }
0x7e: {  	_ =	shalt  }
0x7f: {  	_ =	shalt  }
0x80: {  	_ =	shalt  }
0x81: {  	_ =	shalt  }
0x82: {  	_ =	shalt  }
0x83: {  	_ =	shalt  }
0x84: {  	_ =	shalt  }
0x85: {  	_ =	shalt  }
0x86: {  	_ =	shalt  }
0x87: {  	_ =	shalt  }
.Lfunc_end0:
.L_simem_size_0:
called_computation.1_lowered:
.L_overlay_start_0:
0x88: {  	s2 =	sld [smem:$0x3FD9]  }
0x89: {  	s3 =	sld [smem:$0x3FFE];
	_ =	sdelay $0x1  }
0x8a: {  	s1 =	srdreg.scid  }
0x8b: {  	s0 =	sand.u32 $0x1, s1  }
0x8c: {  	s16 =	sshll.u32 s0, $0xA;
	s2 =	sadd.s32 s3, s2  }
0x8d: {  	s2 =	sadd.s32 s2, s16  }
0x8e: {  	[smem:$0x3FAD] =	sst s2  }
0x8f: {  	_ = 	snop  }
0x90: {  	(tm) =	ssettm $0x1  }
0x91: {  	s17 =	sld [smem:$0x3FFB];
	_ =	sdelay $0x3  }
0x92: {  	_ =	strace s17  }
0x93: {  	s2 =	sld [smem:$0x3FFC];
	_ =	sdelay $0x3  }
0x94: {  	_ =	strace s2  }
0x95: {  	s2 =	sld [smem:$0x3FFD];
	_ =	sdelay $0x3  }
0x96: {  	_ =	strace s2  }
0x97: {  	_ =	strace $0x8FFFFFFF  }
0x98: {  	s18 =	sld [smem:$0x3FDB];
	_ =	sdelay $0x1  }
0x99: {  	s19 =	simm.s32 $_scs_section_size  }
0x9a: {  	s4 =	simm.s32 $_size__tile_overlayer_lowered;
	s5 =	simm.s32 $_tile_overlayer_lowered  }
0x9b: {  	s22 =	simm.s32 $0x1BFF;
	s21 =	sshll.u32 s5, $0x1;
	s2 =	sadd.s32 s19, s18  }
0x9c: {  	s6 =	simm.s32 $0x0;
	s20 =	sshll.u32 s4, $0x1;
	s4 =	sadd.s32 s21, s2  }
0x9d: {  	[timem:s6], [sflag:s22] =	dma.local [hbm:s4], s20  }
0x9e: {  	_ =	swait.ge [sflag:s22], s20  }
0x9f: {  	s3 =	ssub.s32 $0x0, s20;
	[sflag:s22] =	ssyncset.done $0x0  }
0xa0: {  	[sflag:s22] =	ssyncadd.s32 s3;
	_ =	sdelay $0x1  }
0xa1: {  	s23 =	simm.s32 $0x1B8B  }
0xa2: {  	_ =	swait.ge [sflag:s23], $0x1  }
0xa3: {  	[sflag:s23] =	ssyncset.done $0x0  }
0xa4: {  	s25 =	simm.s32 $0x1B8E;
	s24 =	sld [smem:$0x3FFE];
	[sflag:s23] =	ssyncadd.s32 $0xFFFFFFFF  }
0xa5: {  	s26 =	simm.s32 $execute0_lowered;
	[smem:$0x3FD2] =	sst s25  }
0xa6: {  	s4 =	sshll.u32 s26, $0x1;
	_ =	strace $0x80000049;
	[dreg:$0x1] =	wrdreg $0xFFFFFFFF  }
0xa7: {  	s28 =	simm.s32 $_size_execute0_lowered;
	s2 =	sadd.s32 s2, s4;
	[dreg:$0x0] =	wrdreg $0x0  }
0xa8: {  	s4 =	sshll.u32 s28, $0x1;
	[dreg:$0x2] =	wrdreg s2  }
0xa9: {  	[dreg:$0x3] =	wrdreg s4  }
0xaa: {  	[dreg:$0x4] =	wrdreg $0xC0  }
0xab: {  	_ =	task [dreg:s6], $0x5FFFF  }
0xac: {  	[dreg:$0x1] =	wrdreg $0xFFFFFFFF  }
0xad: {  	[dreg:$0x0] =	wrdreg $0x60  }
0xae: {  	[dreg:$0x2] =	wrdreg s24  }
0xaf: {  	[dreg:$0x3] =	wrdreg $0x90000  }
0xb0: {  	[dreg:$0x4] =	wrdreg $0x9  }
0xb1: {  	_ =	task.clear_ibuf [dreg:s6], $0x5FFFF;
	_ =	strace $0x90000049  }
0xb2: {  	s29 =	simm.s32 $0x9;
	_ =	strace $0x8000004B  }
0xb3: {  	_ =	swait.ge [sflag:s29], $0x1  }
0xb4: {  	[sflag:s29] =	ssyncadd.s32 $0xFFFFFFFF  }
0xb5: {  	_ =	strace $0x9000004B  }
0xb6: {  	_ =	sfence  }
0xb7: {  	s30 =	sld [smem:$0x0];
	_ =	sdelay $0x2  }
0xb8: {  	s31 =	sshll.u32 s1, $0xD;
	s1 =	sshrl.u32 s1, $0x2  }
0xb9: {  	s3 =	sand.u32 $0x4000, s31;
	s1 =	sadd.s32 s1, s30  }
0xba: {  	s0 =	sor.u32 s3, s0;
	s1 =	sshll.u32 s1, $0x11  }
0xbb: {  	s0 =	sor.u32 s1, s0  }
0xbc: {  	s0 =	sadd.s32 $0x8F2B, s0  }
0xbd: {  	[sflag:s0] =	ssyncadd.remote.s32 $0x1  }
0xbe: {  	_ =	sfence.sel $0xFFFF  }
0xbf: {  	[dreg:$0x0] =	wrdreg $0xFFFFFFFF;
	(pc) =	sbr.abs _section_cstart, $3  }
0xc0: {  	[dreg:$0x1] =	wrdreg $0xFFFFFFFF  }
0xc1: {  	_ =	task.clear_ibuf [dreg:s6], $0x2FFFF;
	_ =	strace $0x9FFFFFFF  }
0xc2: {  	(tm) =	ssettm $0x7FFFFFFF  }
0xc3: {  	_ =	shalt  }
tec
execute0_lowered:
.L_overlay_start_1:
0x0: {  	(tag) =	ssettag $0x1  }
0x1: {  	s5 =	rddreg [dreg:$0x0]  }
0x2: {  	s0 =	srdreg.scid;
	s2 =	rddreg [dreg:$0x1]  }
0x3: {  	s3 =	simm.s32 $0x0;
	s20 =	simm.s32 $0x2800;
	s21 =	simm.s32 $0x80  }
0x4: {  	s22 =	simm.s32 $0x1;
	s4 =	sand.u32 $0x1, s0;
	s0 =	stileid.u32  }
0x5: {  	[smem:$0x7FF] =	sst s3;
	s17 =	sadd.s32 $0x41E00, s5;
	s15 =	smul.u32 $0x140000, s4  }
0x6: {  	s1 =	sshll.u32 s4, $0x4;
	s7 =	ssub.s32 $0x2, s4;
	s8 =	smul.u32 $0x50000, s0  }
0x7: {  	s4 =	sadd.s32 $0x19E00, s5;
	s12 =	smul.u32 $0x14000, s0;
	s6 =	sor.u32 s0, s1  }
0x8: {  	s1 =	rddreg [dreg:$0x2];
	_ =	strace $0x8000004A;
	s9 =	sshrl.u32 s7, $0x1  }
0x9: {  	s6 =	smul.u32 $0x500, s6;
	s9 =	ssub.s32 s7, s9;
	s29 =	sshrl.u32 s8, $0x2  }
0xa: {  	s30 =	sadd.s32 s15, s12;
	s13 =	sadd.s32 $0x4000, s12;
	s16 =	sadd.s32 $0x8000, s12  }
0xb: {  	s18 =	sadd.s32 $0xC000, s12;
	s19 =	sadd.s32 $0x10000, s12;
	s7 =	sadd.s32 s29, s2  }
0xc: {  	s8 =	sshrl.u32 s30, $0x3;
	s9 =	smax.u32 s9, $0x1;
	s10 =	sadd.s32 s13, s2  }
0xd: {  	s11 =	sadd.s32 s16, s2;
	s14 =	sadd.s32 s15, s13;
	s12 =	sadd.s32 s18, s2  }
0xe: {  	s13 =	sadd.s32 s19, s2;
	s16 =	sadd.s32 s15, s16;
	s18 =	sadd.s32 s15, s18  }
0xf: {  	s19 =	sadd.s32 s15, s19;
	s6 =	sadd.s32 s6, s5;
	s8 =	sadd.s32 s17, s8  }
0x10: {  	s14 =	sshrl.u32 s14, $0x3;
	s16 =	sshrl.u32 s16, $0x3;
	s18 =	sshrl.u32 s18, $0x3  }
0x11: {  	s31 =	sshrl.u32 s19, $0x3;
	s19 =	simm.s32 $0x2;
	s5 =	sadd.s32 $0xFE00, s6  }
0x12: {  	s6 =	sadd.s32 $0x5E00, s6;
	s14 =	sadd.s32 s17, s14;
	s15 =	sadd.s32 s17, s16  }
0x13: {  	v0 =	vimm.f32 $0.0e+00;
	s16 =	sadd.s32 s17, s18;
	s17 =	sadd.s32 s17, s31;
	s18 =	simm.s32 $0x5000  }
.LBB2_1:
0x14: {  	s23 =	simm.s32 $0x0;
	s24 =	simm.s32 $0x200  }
.LBB2_2:
0x15: {  	p0 =	sne.s32 s24, $0xFE00;
	[tilespmem:s23+$0x5070] =	vst v0  }
0x16: {  	[tilespmem:s23+$0x5000] =	vst v0  }
0x17: {  	[tilespmem:s23+$0x5010] =	vst v0  }
.Ltmp0:
0x18: {  	[tilespmem:s23+$0x5020] =	vst v0;
	(pc) =	sbr.rel @p0 .LBB2_2-.Ltmp0, $4  }
0x19: {  	[tilespmem:s23+$0x5030] =	vst v0  }
0x1a: {  	[tilespmem:s23+$0x5040] =	vst v0  }
0x1b: {  	[tilespmem:s23+$0x5050] =	vst v0  }
0x1c: {  	[tilespmem:s23+$0x5060] =	vst v0;
	s23 =	sshra.s32 s24, $0x2;
	s24 =	sadd.s32 $0x200, s24  }
0x1d: {  	[tilespmem:s23+$0x5070] =	vst v0  }
0x1e: {  	[tilespmem:s23+$0x5000] =	vst v0  }
0x1f: {  	[tilespmem:s23+$0x5010] =	vst v0  }
0x20: {  	[tilespmem:s23+$0x5020] =	vst v0  }
0x21: {  	[tilespmem:s23+$0x5030] =	vst v0  }
0x22: {  	[tilespmem:s23+$0x5040] =	vst v0  }
0x23: {  	[tilespmem:s23+$0x5050] =	vst v0  }
0x24: {  	[tilespmem:s23+$0x5060] =	vst v0  }
0x25: {  	[spmem:s7] =	stream.linear.scatter [tilespmem:s18], [sflag:$0x2], $0x4000, $0x38;
	[tilespmem:$0x1D000] =	vst v63  }
0x26: {  	_ =	swait.ge [sflag:s19], $0x4000  }
0x27: {  	[sflag:s19] =	ssyncset.done $0x0  }
0x28: {  	[sflag:s19] =	ssyncadd.s32 $0xFFFFC000  }
0x29: {  	[spmem:s10] =	stream.linear.scatter [tilespmem:s18], [sflag:$0x2], $0x4000, $0x38;
	[tilespmem:$0x1D000] =	vst v63  }
0x2a: {  	_ =	swait.ge [sflag:s19], $0x4000  }
0x2b: {  	[sflag:s19] =	ssyncset.done $0x0  }
0x2c: {  	[sflag:s19] =	ssyncadd.s32 $0xFFFFC000  }
0x2d: {  	[spmem:s11] =	stream.linear.scatter [tilespmem:s18], [sflag:$0x2], $0x4000, $0x38;
	[tilespmem:$0x1D000] =	vst v63  }
0x2e: {  	_ =	swait.ge [sflag:s19], $0x4000  }
0x2f: {  	[sflag:s19] =	ssyncset.done $0x0  }
0x30: {  	[sflag:s19] =	ssyncadd.s32 $0xFFFFC000  }
0x31: {  	[spmem:s12] =	stream.linear.scatter [tilespmem:s18], [sflag:$0x2], $0x4000, $0x38;
	[tilespmem:$0x1D000] =	vst v63  }
0x32: {  	_ =	swait.ge [sflag:s19], $0x4000  }
0x33: {  	[sflag:s19] =	ssyncset.done $0x0  }
0x34: {  	[sflag:s19] =	ssyncadd.s32 $0xFFFFC000  }
0x35: {  	[spmem:s13] =	stream.linear.scatter [tilespmem:s18], [sflag:$0x2], $0x4000, $0x38;
	[tilespmem:$0x1D000] =	vst v63  }
0x36: {  	_ =	swait.ge [sflag:s19], $0x4000  }
0x37: {  	[sflag:s19] =	ssyncset.done $0x0  }
0x38: {  	s29 =	simm.s32 $0x0;
	[sflag:s19] =	ssyncadd.s32 $0xFFFFC000  }
0x39: {  	[tilespmem:s29], [sflag:$0x2] =	stream.linear.gather [hbm4b:s5+s29], $0x2800, $0x38;
	[tilespmem:$0x1D000] =	vst v63  }
0x3a: {  	_ =	swait.ge [sflag:s19], $0x2800  }
0x3b: {  	[sflag:s19] =	ssyncset.done $0x0  }
0x3c: {  	[sflag:s19] =	ssyncadd.s32 $0xFFFFD800  }
0x3d: {  	[tilespmem:s20], [sflag:$0x2] =	stream.linear.gather [hbm4b:s6+s29], $0x2800, $0x38;
	[tilespmem:$0x1D000] =	vst v63  }
0x3e: {  	_ =	swait.ge [sflag:s19], $0x2800  }
0x3f: {  	[sflag:s19] =	ssyncset.done $0x0  }
0x40: {  	[sflag:s19] =	ssyncadd.s32 $0xFFFFD800  }
0x41: {  	s30 =	simm.s32 $0x0;
	[bflag:$0x0] =	sbarrier.arrive $0xFFFF  }
0x42: {  	[tilespmem:s18], [sflag:$0x1] =	stream.indirect.gather [hbm4b:s4+s21], $0x80, s30, s21, $0xb8;
	[tilespmem:$0x1D000] =	vst v63  }
0x43: {  	_ =	swait.ge [sflag:s22], $0x4000  }
0x44: {  	[sflag:s22] =	ssyncset.done $0x0  }
0x45: {  	s31 =	simm.s32 $0x2800;
	[sflag:s22] =	ssyncadd.s32 $0xFFFFC000  }
0x46: {  	[spmem:s2] =	stream.indirect.scatter.add.f32 [tilespmem:s18], [sflag:$0x2], $0x80, s31, s21, $0xb8;
	[tilespmem:$0x1D000] =	vst v63  }
0x47: {  	_ =	swait.ge [sflag:s19], $0x4000  }
0x48: {  	s23 =	simm.s32 $0x200;
	s24 =	simm.s32 $0x400;
	[sflag:s19] =	ssyncset.done $0x0  }
.LBB2_4:
0x49: {  	s25 =	sshra.s32 s23, $0x2  }
0x4a: {  	[sflag:s19] =	ssyncadd.s32 $0xFFFFC000;
	s23 =	smov.u32 s24;
	s26 =	sadd.s32 $0x200, s24  }
0x4b: {  	[tilespmem:s18], [sflag:$0x1] =	stream.indirect.gather [hbm4b:s4+s21], $0x80, s25, s21, $0xb8;
	[tilespmem:$0x1D000] =	vst v63  }
0x4c: {  	p0 =	sne.s32 s24, $0x9E00;
	_ =	swait.ge [sflag:s22], $0x4000  }
.Ltmp1:
0x4d: {  	[sflag:s22] =	ssyncset.done $0x0;
	(pc) =	sbr.rel @p0 .LBB2_4-.Ltmp1, $4  }
0x4e: {  	s24 =	sadd.s32 $0x2800, s25;
	[sflag:s22] =	ssyncadd.s32 $0xFFFFC000  }
0x4f: {  	[spmem:s2] =	stream.indirect.scatter.add.f32 [tilespmem:s18], [sflag:$0x2], $0x80, s24, s21, $0xb8;
	[tilespmem:$0x1D000] =	vst v63  }
0x50: {  	_ =	swait.ge [sflag:s19], $0x4000  }
0x51: {  	s24 =	smov.u32 s26;
	[sflag:s19] =	ssyncset.done $0x0  }
0x52: {  	s23 =	sshra.s32 s23, $0x2;
	[sflag:s19] =	ssyncadd.s32 $0xFFFFC000  }
0x53: {  	[tilespmem:s18], [sflag:$0x1] =	stream.indirect.gather [hbm4b:s4+s21], $0x80, s23, s21, $0xb8;
	[tilespmem:$0x1D000] =	vst v63  }
0x54: {  	_ =	swait.ge [sflag:s22], $0x4000  }
0x55: {  	[sflag:s22] =	ssyncset.done $0x0  }
0x56: {  	s23 =	sadd.s32 $0x2800, s23;
	[sflag:s22] =	ssyncadd.s32 $0xFFFFC000  }
0x57: {  	[spmem:s2] =	stream.indirect.scatter.add.f32 [tilespmem:s18], [sflag:$0x2], $0x80, s23, s21, $0xb8;
	[tilespmem:$0x1D000] =	vst v63  }
0x58: {  	_ =	swait.ge [sflag:s19], $0x4000  }
0x59: {  	[sflag:s19] =	ssyncset.done $0x0  }
0x5a: {  	s26 =	sshll.u32 s0, $0x6;
	[sflag:s19] =	ssyncadd.s32 $0xFFFFC000  }
0x5b: {  	s24 =	sshrl.u32 s7, $0x3;
	s23 =	sor.u32 $0x1C02, s26;
	[bflag:$0x0] =	sbarrier.arrive $0xFFFF  }
0x5c: {  	[hbm:s8], [sflag:s23] =	dma.local [spmem:s24], $0x800  }
0x5d: {  	_ =	swait.ge [sflag:s19], $0x800  }
0x5e: {  	[sflag:s19] =	ssyncset.done $0x0  }
0x5f: {  	s28 =	sshrl.u32 s10, $0x3;
	[sflag:s19] =	ssyncadd.s32 $0xFFFFF800  }
0x60: {  	[hbm:s14], [sflag:s23] =	dma.local [spmem:s28], $0x800  }
0x61: {  	_ =	swait.ge [sflag:s19], $0x800  }
0x62: {  	[sflag:s19] =	ssyncset.done $0x0  }
0x63: {  	s29 =	sshrl.u32 s11, $0x3;
	[sflag:s19] =	ssyncadd.s32 $0xFFFFF800  }
0x64: {  	[hbm:s15], [sflag:s23] =	dma.local [spmem:s29], $0x800  }
0x65: {  	_ =	swait.ge [sflag:s19], $0x800  }
0x66: {  	[sflag:s19] =	ssyncset.done $0x0  }
0x67: {  	s30 =	sshrl.u32 s12, $0x3;
	[sflag:s19] =	ssyncadd.s32 $0xFFFFF800  }
0x68: {  	[hbm:s16], [sflag:s23] =	dma.local [spmem:s30], $0x800  }
0x69: {  	s3 =	sadd.s32 $0x1, s3;
	_ =	swait.ge [sflag:s19], $0x800  }
0x6a: {  	p0 =	sne.s32 s3, s9;
	[sflag:s19] =	ssyncset.done $0x0  }
.Ltmp2:
0x6b: {  	s31 =	sshrl.u32 s13, $0x3;
	[sflag:s19] =	ssyncadd.s32 $0xFFFFF800;
	(pc) =	sbr.rel @p0 .LBB2_1-.Ltmp2, $4  }
0x6c: {  	[hbm:s17], [sflag:s23] =	dma.local [spmem:s31], $0x800  }
0x6d: {  	_ =	swait.ge [sflag:s19], $0x800  }
0x6e: {  	[sflag:s19] =	ssyncset.done $0x0  }
0x6f: {  	[sflag:s19] =	ssyncadd.s32 $0xFFFFF800  }
0x70: {  	_ =	sfence.sel $0x180000  }
0x71: {  	[bflag:$0x0] =	sbarrier.arrive $0xFFFF  }
0x72: {  	p0 =	sne.s32 s0, $0x0;
	_ =	strace $0x9000004A  }
0x73: {  	s0 =	sadd.s32 @!p0 $0x100000, s1;
	[bflag:$0x2] =	sbarrier.arrive $0xFFFF  }
0x74: {  	[sflag:s0] =	ssyncadd.tile.s32 @!p0 $0x1;
	_ =	shalt  }
.Lfunc_end2:
_tile_overlayer_lowered:
.L_overlay_start_2:
0x75: {  	(tag) =	ssettag $0x2  }
0x76: {  	s0 =	rddreg [dreg:$0x0];
	s2 =	stileid.u32  }
0x77: {  	s1 =	rddreg [dreg:$0x1];
	p0 =	sne.s32 s2, $0x0  }
0x78: {  	s3 =	rddreg [dreg:$0x2];
	[bflag:$0x3] =	sbarrier.arrive $0xFFFF;
	s2 =	simm.s32 @!p0 $0x1C02  }
0x79: {  	[timem:s3], [sflag:s2] =	dma.local @!p0 [hbm:s0], s1  }
0x7a: {  	s0 =	simm.s32 @!p0 $0x2  }
0x7b: {  	_ =	swait.ge @!p0 [sflag:s0], s1  }
0x7c: {  	s1 =	ssub.s32 @!p0 $0x0, s1;
	[sflag:s0] =	ssyncset.done @!p0 $0x0  }
0x7d: {  	[sflag:s0] =	ssyncadd.s32 @!p0 s1  }
0x7e: {  	[bflag:$0x3] =	sbarrier.arrive $0xFFFF  }
0x7f: {  	_ =	shalt  }

// kernel: kernel.16.cloned.1.call-start
scs
__scs_entry_jumppad:
0x0: {  	(pc) =	sbr.rel $0x88, $3  }
0x1: {  	(tag) =	ssettag $0x0;
	lr =	simm.s32 $0x1  }
0x2: {  	[smem:$0x3F86] =	sst lr;
	_ =	strace $0xD0000000  }
0x3: {  	_ = 	snop  }
0x4: {  	_ = 	snop  }
0x5: {  	_ = 	snop  }
0x6: {  	_ = 	snop  }
0x7: {  	_ = 	snop  }
__scs_overlays_trampoline_lowered:
0x8: {  	[smem:$0x3F95] =	sst s0  }
0x9: {  	[smem:$0x3F96] =	sst s1  }
0xa: {  	[smem:$0x3F97] =	sst s2  }
0xb: {  	[smem:$0x3F98] =	sst s3  }
0xc: {  	[smem:$0x3F99] =	sst s4  }
0xd: {  	[smem:$0x3F9A] =	sst s5  }
0xe: {  	[smem:$0x3F9B] =	sst s6  }
0xf: {  	[smem:$0x3F9C] =	sst s7  }
0x10: {  	[smem:$0x3F9D] =	sst s8  }
0x11: {  	[smem:$0x3F9E] =	sst s9;
	s0 =	simm.s32 @!p0 $0x0  }
0x12: {  	s1 =	sld [smem:$0x3F84];
	s0 =	simm.s32 @p0 $0x1  }
0x13: {  	[smem:$0x3F9F] =	sst s0;
	s0 =	simm.s32 @!p1 $0x0  }
0x14: {  	s2 =	sld [smem:$0x3F83];
	s0 =	simm.s32 @p1 $0x1  }
0x15: {  	[smem:$0x3FA0] =	sst s0;
	s0 =	simm.s32 @!p2 $0x0  }
0x16: {  	s3 =	sld [smem:$0x3FDB];
	s0 =	simm.s32 @p2 $0x1  }
0x17: {  	s4 =	simm.s32 $0x1BF5;
	[smem:$0x3FA2] =	sst s0  }
0x18: {  	s0 =	sld [smem:$0x3F85];
	_ =	swait.ge [sflag:s4], $0x0  }
0x19: {  	s7 =	sld [smem:$0x3F86]  }
0x1a: {  	s8 =	sadd.s32 $0xFFFFE003, lr  }
0x1b: {  	s9 =	sadd.s32 $0xFFFFFEF7, lr;
	s5 =	simm.s32 $0xFFFFFFFF;
	p2 =	slt.u32 s8, $0xFFFFF086  }
0x1c: {  	p1 =	slt.u32 s9, $0xF7A;
	s5 =	simm.s32 @!p2 $0x0  }
0x1d: {  	s5 =	simm.s32 @p1 $0x1;
	p0 =	seq.s32 s7, s2  }
0x1e: {  	s7 =	smul.u32 @!p0 $0xF7A, s2;
	p2 =	seq.s32 @!p0 s5, $0x0  }
0x1f: {  	s9 =	smul.u32 $0xF7A, s1;
	s8 =	simm.s32 @!p0 $0x1BF5;
	p2 =	por !p2, p0  }
0x20: {  	[sflag:s8] =	ssyncset.s32 @!p0 $0xFFFFF086;
	s6 =	sadd.s32 @!p0 s3, s7;
	s7 =	simm.s32 @!p0 $0x108  }
0x21: {  	s3 =	sadd.s32 s3, s9;
	s6 =	sadd.s32 @!p0 $0x88, s6;
	s7 =	simm.s32 @p2 $0x1082  }
0x22: {  	[simem:s7], [sflag:s8] =	dma.local @!p0 [hbm:s6], $0xF7A  }
0x23: {  	s9 =	sor.u32 $0xD0000000, s2;
	s6 =	simm.s32 $0x108;
	_ =	swait.ge @!p0 [sflag:s8], $0x0  }
0x24: {  	s3 =	sadd.s32 $0x88, s3;
	s6 =	simm.s32 @!p1 $0x1082;
	[sflag:s4] =	ssyncset.s32 $0xFFFFF086  }
0x25: {  	[simem:s6], [sflag:s4] =	dma.local [hbm:s3], $0xF7A  }
0x26: {  	[smem:$0x3F86] =	sst s1;
	(tag) =	ssettag s2;
	_ =	strace s9  }
0x27: {  	s1 =	sld [smem:$0x3F96]  }
0x28: {  	s2 =	sld [smem:$0x3F97]  }
0x29: {  	s4 =	sld [smem:$0x3F99]  }
0x2a: {  	p0 =	seq.s32 s5, $0x0;
	s5 =	sld [smem:$0x3F9A]  }
0x2b: {  	s6 =	sld [smem:$0x3F9B]  }
0x2c: {  	s7 =	sld [smem:$0x3F9C]  }
0x2d: {  	s3 =	simm.s32 $0x108;
	s8 =	sld [smem:$0x3F9D]  }
0x2e: {  	s3 =	simm.s32 @!p0 $0x1082;
	s9 =	sld [smem:$0x3F9E]  }
0x2f: {  	lr =	sadd.s32 s0, s3;
	s0 =	sld [smem:$0x3F95]  }
0x30: {  	s3 =	sld [smem:$0x3F98]  }
0x31: {  	[smem:$0x3FA1] =	sst s10  }
0x32: {  	s10 =	sld [smem:$0x3F9F];
	_ =	sdelay $0x3  }
0x33: {  	p0 =	seq.s32 s10, $0x1;
	s10 =	sld [smem:$0x3FA1];
	_ =	sdelay $0x3  }
0x34: {  	[smem:$0x3FA1] =	sst s10  }
0x35: {  	s10 =	sld [smem:$0x3FA0];
	_ =	sdelay $0x3  }
0x36: {  	p1 =	seq.s32 s10, $0x1;
	s10 =	sld [smem:$0x3FA1];
	_ =	sdelay $0x3  }
0x37: {  	[smem:$0x3FA1] =	sst s10  }
0x38: {  	s10 =	sld [smem:$0x3FA2]  }
0x39: {  	_ = 	snop;
	(pc) =	sbr.ind lr, $3  }
0x3a: {  	_ = 	snop  }
0x3b: {  	_ = 	snop  }
0x3c: {  	p2 =	seq.s32 s10, $0x1;
	s10 =	sld [smem:$0x3FA1]  }
0x3d: {  	_ =	shalt  }
0x3e: {  	_ =	shalt  }
0x3f: {  	_ =	shalt  }
0x40: {  	_ =	shalt  }
0x41: {  	_ =	shalt  }
0x42: {  	_ =	shalt  }
0x43: {  	_ =	shalt  }
0x44: {  	_ =	shalt  }
0x45: {  	_ =	shalt  }
0x46: {  	_ =	shalt  }
0x47: {  	_ =	shalt  }
0x48: {  	_ =	shalt  }
0x49: {  	_ =	shalt  }
0x4a: {  	_ =	shalt  }
0x4b: {  	_ =	shalt  }
0x4c: {  	_ =	shalt  }
0x4d: {  	_ =	shalt  }
0x4e: {  	_ =	shalt  }
0x4f: {  	_ =	shalt  }
0x50: {  	_ =	shalt  }
0x51: {  	_ =	shalt  }
0x52: {  	_ =	shalt  }
0x53: {  	_ =	shalt  }
0x54: {  	_ =	shalt  }
0x55: {  	_ =	shalt  }
0x56: {  	_ =	shalt  }
0x57: {  	_ =	shalt  }
0x58: {  	_ =	shalt  }
0x59: {  	_ =	shalt  }
0x5a: {  	_ =	shalt  }
0x5b: {  	_ =	shalt  }
0x5c: {  	_ =	shalt  }
0x5d: {  	_ =	shalt  }
0x5e: {  	_ =	shalt  }
0x5f: {  	_ =	shalt  }
0x60: {  	_ =	shalt  }
0x61: {  	_ =	shalt  }
0x62: {  	_ =	shalt  }
0x63: {  	_ =	shalt  }
0x64: {  	_ =	shalt  }
0x65: {  	_ =	shalt  }
0x66: {  	_ =	shalt  }
0x67: {  	_ =	shalt  }
0x68: {  	_ =	shalt  }
0x69: {  	_ =	shalt  }
0x6a: {  	_ =	shalt  }
0x6b: {  	_ =	shalt  }
0x6c: {  	_ =	shalt  }
0x6d: {  	_ =	shalt  }
0x6e: {  	_ =	shalt  }
0x6f: {  	_ =	shalt  }
0x70: {  	_ =	shalt  }
0x71: {  	_ =	shalt  }
0x72: {  	_ =	shalt  }
0x73: {  	_ =	shalt  }
0x74: {  	_ =	shalt  }
0x75: {  	_ =	shalt  }
0x76: {  	_ =	shalt  }
0x77: {  	_ =	shalt  }
0x78: {  	_ =	shalt  }
0x79: {  	_ =	shalt  }
0x7a: {  	_ =	shalt  }
0x7b: {  	_ =	shalt  }
0x7c: {  	_ =	shalt  }
0x7d: {  	_ =	shalt  }
0x7e: {  	_ =	shalt  }
0x7f: {  	_ =	shalt  }
0x80: {  	_ =	shalt  }
0x81: {  	_ =	shalt  }
0x82: {  	_ =	shalt  }
0x83: {  	_ =	shalt  }
0x84: {  	_ =	shalt  }
0x85: {  	_ =	shalt  }
0x86: {  	_ =	shalt  }
0x87: {  	_ =	shalt  }
.Lfunc_end0:
.L_simem_size_0:
called_computation.2_lowered:
.L_overlay_start_0:
0x88: {  	s2 =	sld [smem:$0x3FD9]  }
0x89: {  	s3 =	sld [smem:$0x3FFE];
	_ =	sdelay $0x1  }
0x8a: {  	s1 =	srdreg.scid  }
0x8b: {  	s0 =	sand.u32 $0x1, s1  }
0x8c: {  	s16 =	sshll.u32 s0, $0xA;
	s2 =	sadd.s32 s3, s2  }
0x8d: {  	s2 =	sadd.s32 s2, s16  }
0x8e: {  	[smem:$0x3FAD] =	sst s2  }
0x8f: {  	_ = 	snop  }
0x90: {  	(tm) =	ssettm $0x1  }
0x91: {  	s17 =	sld [smem:$0x3FFB];
	_ =	sdelay $0x3  }
0x92: {  	_ =	strace s17  }
0x93: {  	s2 =	sld [smem:$0x3FFC];
	_ =	sdelay $0x3  }
0x94: {  	_ =	strace s2  }
0x95: {  	s2 =	sld [smem:$0x3FFD];
	_ =	sdelay $0x3  }
0x96: {  	_ =	strace s2  }
0x97: {  	_ =	strace $0x8FFFFFFF  }
0x98: {  	s18 =	sld [smem:$0x3FDB];
	_ =	sdelay $0x1  }
0x99: {  	s19 =	simm.s32 $_scs_section_size  }
0x9a: {  	s4 =	simm.s32 $_size__tile_overlayer_lowered;
	s5 =	simm.s32 $_tile_overlayer_lowered  }
0x9b: {  	s22 =	simm.s32 $0x1BFF;
	s21 =	sshll.u32 s5, $0x1;
	s2 =	sadd.s32 s19, s18  }
0x9c: {  	s6 =	simm.s32 $0x0;
	s20 =	sshll.u32 s4, $0x1;
	s4 =	sadd.s32 s21, s2  }
0x9d: {  	[timem:s6], [sflag:s22] =	dma.local [hbm:s4], s20  }
0x9e: {  	_ =	swait.ge [sflag:s22], s20  }
0x9f: {  	s3 =	ssub.s32 $0x0, s20;
	[sflag:s22] =	ssyncset.done $0x0  }
0xa0: {  	[sflag:s22] =	ssyncadd.s32 s3;
	_ =	sdelay $0x1  }
0xa1: {  	s23 =	simm.s32 $0x1B8B  }
0xa2: {  	_ =	swait.ge [sflag:s23], $0x1  }
0xa3: {  	[sflag:s23] =	ssyncset.done $0x0  }
0xa4: {  	s25 =	simm.s32 $0x1B8E;
	s24 =	sld [smem:$0x3FFE];
	[sflag:s23] =	ssyncadd.s32 $0xFFFFFFFF  }
0xa5: {  	s26 =	simm.s32 $execute0_lowered;
	[smem:$0x3FD2] =	sst s25  }
0xa6: {  	s4 =	sshll.u32 s26, $0x1;
	_ =	strace $0x8000004C;
	[dreg:$0x1] =	wrdreg $0xFFFFFFFF  }
0xa7: {  	s28 =	simm.s32 $_size_execute0_lowered;
	s2 =	sadd.s32 s2, s4;
	[dreg:$0x0] =	wrdreg $0x0  }
0xa8: {  	s4 =	sshll.u32 s28, $0x1;
	[dreg:$0x2] =	wrdreg s2  }
0xa9: {  	[dreg:$0x3] =	wrdreg s4  }
0xaa: {  	[dreg:$0x4] =	wrdreg $0xC0  }
0xab: {  	_ =	task [dreg:s6], $0x5FFFF  }
0xac: {  	[dreg:$0x1] =	wrdreg $0xFFFFFFFF  }
0xad: {  	[dreg:$0x0] =	wrdreg $0x60  }
0xae: {  	[dreg:$0x2] =	wrdreg s24  }
0xaf: {  	[dreg:$0x3] =	wrdreg $0x90000  }
0xb0: {  	[dreg:$0x4] =	wrdreg $0x9  }
0xb1: {  	_ =	task.clear_ibuf [dreg:s6], $0x5FFFF;
	_ =	strace $0x9000004C  }
0xb2: {  	s29 =	simm.s32 $0x9;
	_ =	strace $0x8000004E  }
0xb3: {  	_ =	swait.ge [sflag:s29], $0x1  }
0xb4: {  	[sflag:s29] =	ssyncadd.s32 $0xFFFFFFFF  }
0xb5: {  	_ =	strace $0x9000004E  }
0xb6: {  	_ =	sfence  }
0xb7: {  	s30 =	sld [smem:$0x0];
	_ =	sdelay $0x2  }
0xb8: {  	s31 =	sshll.u32 s1, $0xD;
	s1 =	sshrl.u32 s1, $0x2  }
0xb9: {  	s3 =	sand.u32 $0x4000, s31;
	s1 =	sadd.s32 s1, s30  }
0xba: {  	s0 =	sor.u32 s3, s0;
	s1 =	sshll.u32 s1, $0x11  }
0xbb: {  	s0 =	sor.u32 s1, s0  }
0xbc: {  	s0 =	sadd.s32 $0x8F2B, s0  }
0xbd: {  	[sflag:s0] =	ssyncadd.remote.s32 $0x1  }
0xbe: {  	_ =	sfence.sel $0xFFFF  }
0xbf: {  	[dreg:$0x0] =	wrdreg $0xFFFFFFFF;
	(pc) =	sbr.abs _section_cstart, $3  }
0xc0: {  	[dreg:$0x1] =	wrdreg $0xFFFFFFFF  }
0xc1: {  	_ =	task.clear_ibuf [dreg:s6], $0x2FFFF;
	_ =	strace $0x9FFFFFFF  }
0xc2: {  	(tm) =	ssettm $0x7FFFFFFF  }
0xc3: {  	_ =	shalt  }
tec
execute0_lowered:
.L_overlay_start_1:
0x0: {  	(tag) =	ssettag $0x1  }
0x1: {  	s5 =	rddreg [dreg:$0x0]  }
0x2: {  	s0 =	srdreg.scid;
	s2 =	rddreg [dreg:$0x1]  }
0x3: {  	s3 =	simm.s32 $0x0;
	s20 =	simm.s32 $0x2800;
	s21 =	simm.s32 $0x80  }
0x4: {  	s22 =	simm.s32 $0x1;
	s4 =	sand.u32 $0x1, s0;
	s0 =	stileid.u32  }
0x5: {  	[smem:$0x7FF] =	sst s3;
	s17 =	sadd.s32 $0x41E00, s5;
	s15 =	smul.u32 $0x140000, s4  }
0x6: {  	s1 =	sshll.u32 s4, $0x4;
	s7 =	ssub.s32 $0x2, s4;
	s8 =	smul.u32 $0x50000, s0  }
0x7: {  	s4 =	sadd.s32 $0x19E00, s5;
	s12 =	smul.u32 $0x14000, s0;
	s6 =	sor.u32 s0, s1  }
0x8: {  	s1 =	rddreg [dreg:$0x2];
	_ =	strace $0x8000004D;
	s9 =	sshrl.u32 s7, $0x1  }
0x9: {  	s6 =	smul.u32 $0x500, s6;
	s9 =	ssub.s32 s7, s9;
	s29 =	sshrl.u32 s8, $0x2  }
0xa: {  	s30 =	sadd.s32 s15, s12;
	s13 =	sadd.s32 $0x4000, s12;
	s16 =	sadd.s32 $0x8000, s12  }
0xb: {  	s18 =	sadd.s32 $0xC000, s12;
	s19 =	sadd.s32 $0x10000, s12;
	s7 =	sadd.s32 s29, s2  }
0xc: {  	s8 =	sshrl.u32 s30, $0x3;
	s9 =	smax.u32 s9, $0x1;
	s10 =	sadd.s32 s13, s2  }
0xd: {  	s11 =	sadd.s32 s16, s2;
	s14 =	sadd.s32 s15, s13;
	s12 =	sadd.s32 s18, s2  }
0xe: {  	s13 =	sadd.s32 s19, s2;
	s16 =	sadd.s32 s15, s16;
	s18 =	sadd.s32 s15, s18  }
0xf: {  	s19 =	sadd.s32 s15, s19;
	s6 =	sadd.s32 s6, s5;
	s8 =	sadd.s32 s17, s8  }
0x10: {  	s14 =	sshrl.u32 s14, $0x3;
	s16 =	sshrl.u32 s16, $0x3;
	s18 =	sshrl.u32 s18, $0x3  }
0x11: {  	s31 =	sshrl.u32 s19, $0x3;
	s19 =	simm.s32 $0x2;
	s5 =	sadd.s32 $0xFE00, s6  }
0x12: {  	s6 =	sadd.s32 $0x5E00, s6;
	s14 =	sadd.s32 s17, s14;
	s15 =	sadd.s32 s17, s16  }
0x13: {  	v0 =	vimm.f32 $0.0e+00;
	s16 =	sadd.s32 s17, s18;
	s17 =	sadd.s32 s17, s31;
	s18 =	simm.s32 $0x5000  }
.LBB2_1:
0x14: {  	s23 =	simm.s32 $0x0;
	s24 =	simm.s32 $0x200  }
.LBB2_2:
0x15: {  	p0 =	sne.s32 s24, $0xFE00;
	[tilespmem:s23+$0x5070] =	vst v0  }
0x16: {  	[tilespmem:s23+$0x5000] =	vst v0  }
0x17: {  	[tilespmem:s23+$0x5010] =	vst v0  }
.Ltmp0:
0x18: {  	[tilespmem:s23+$0x5020] =	vst v0;
	(pc) =	sbr.rel @p0 .LBB2_2-.Ltmp0, $4  }
0x19: {  	[tilespmem:s23+$0x5030] =	vst v0  }
0x1a: {  	[tilespmem:s23+$0x5040] =	vst v0  }
0x1b: {  	[tilespmem:s23+$0x5050] =	vst v0  }
0x1c: {  	[tilespmem:s23+$0x5060] =	vst v0;
	s23 =	sshra.s32 s24, $0x2;
	s24 =	sadd.s32 $0x200, s24  }
0x1d: {  	[tilespmem:s23+$0x5070] =	vst v0  }
0x1e: {  	[tilespmem:s23+$0x5000] =	vst v0  }
0x1f: {  	[tilespmem:s23+$0x5010] =	vst v0  }
0x20: {  	[tilespmem:s23+$0x5020] =	vst v0  }
0x21: {  	[tilespmem:s23+$0x5030] =	vst v0  }
0x22: {  	[tilespmem:s23+$0x5040] =	vst v0  }
0x23: {  	[tilespmem:s23+$0x5050] =	vst v0  }
0x24: {  	[tilespmem:s23+$0x5060] =	vst v0  }
0x25: {  	[spmem:s7] =	stream.linear.scatter [tilespmem:s18], [sflag:$0x2], $0x4000, $0x38;
	[tilespmem:$0x1D000] =	vst v63  }
0x26: {  	_ =	swait.ge [sflag:s19], $0x4000  }
0x27: {  	[sflag:s19] =	ssyncset.done $0x0  }
0x28: {  	[sflag:s19] =	ssyncadd.s32 $0xFFFFC000  }
0x29: {  	[spmem:s10] =	stream.linear.scatter [tilespmem:s18], [sflag:$0x2], $0x4000, $0x38;
	[tilespmem:$0x1D000] =	vst v63  }
0x2a: {  	_ =	swait.ge [sflag:s19], $0x4000  }
0x2b: {  	[sflag:s19] =	ssyncset.done $0x0  }
0x2c: {  	[sflag:s19] =	ssyncadd.s32 $0xFFFFC000  }
0x2d: {  	[spmem:s11] =	stream.linear.scatter [tilespmem:s18], [sflag:$0x2], $0x4000, $0x38;
	[tilespmem:$0x1D000] =	vst v63  }
0x2e: {  	_ =	swait.ge [sflag:s19], $0x4000  }
0x2f: {  	[sflag:s19] =	ssyncset.done $0x0  }
0x30: {  	[sflag:s19] =	ssyncadd.s32 $0xFFFFC000  }
0x31: {  	[spmem:s12] =	stream.linear.scatter [tilespmem:s18], [sflag:$0x2], $0x4000, $0x38;
	[tilespmem:$0x1D000] =	vst v63  }
0x32: {  	_ =	swait.ge [sflag:s19], $0x4000  }
0x33: {  	[sflag:s19] =	ssyncset.done $0x0  }
0x34: {  	[sflag:s19] =	ssyncadd.s32 $0xFFFFC000  }
0x35: {  	[spmem:s13] =	stream.linear.scatter [tilespmem:s18], [sflag:$0x2], $0x4000, $0x38;
	[tilespmem:$0x1D000] =	vst v63  }
0x36: {  	_ =	swait.ge [sflag:s19], $0x4000  }
0x37: {  	[sflag:s19] =	ssyncset.done $0x0  }
0x38: {  	s29 =	simm.s32 $0x0;
	[sflag:s19] =	ssyncadd.s32 $0xFFFFC000  }
0x39: {  	[tilespmem:s29], [sflag:$0x2] =	stream.linear.gather [hbm4b:s5+s29], $0x2800, $0x38;
	[tilespmem:$0x1D000] =	vst v63  }
0x3a: {  	_ =	swait.ge [sflag:s19], $0x2800  }
0x3b: {  	[sflag:s19] =	ssyncset.done $0x0  }
0x3c: {  	[sflag:s19] =	ssyncadd.s32 $0xFFFFD800  }
0x3d: {  	[tilespmem:s20], [sflag:$0x2] =	stream.linear.gather [hbm4b:s6+s29], $0x2800, $0x38;
	[tilespmem:$0x1D000] =	vst v63  }
0x3e: {  	_ =	swait.ge [sflag:s19], $0x2800  }
0x3f: {  	[sflag:s19] =	ssyncset.done $0x0  }
0x40: {  	[sflag:s19] =	ssyncadd.s32 $0xFFFFD800  }
0x41: {  	s30 =	simm.s32 $0x0;
	[bflag:$0x0] =	sbarrier.arrive $0xFFFF  }
0x42: {  	[tilespmem:s18], [sflag:$0x1] =	stream.indirect.gather [hbm4b:s4+s21], $0x80, s30, s21, $0xb8;
	[tilespmem:$0x1D000] =	vst v63  }
0x43: {  	_ =	swait.ge [sflag:s22], $0x4000  }
0x44: {  	[sflag:s22] =	ssyncset.done $0x0  }
0x45: {  	s31 =	simm.s32 $0x2800;
	[sflag:s22] =	ssyncadd.s32 $0xFFFFC000  }
0x46: {  	[spmem:s2] =	stream.indirect.scatter.add.f32 [tilespmem:s18], [sflag:$0x2], $0x80, s31, s21, $0xb8;
	[tilespmem:$0x1D000] =	vst v63  }
0x47: {  	_ =	swait.ge [sflag:s19], $0x4000  }
0x48: {  	s23 =	simm.s32 $0x200;
	s24 =	simm.s32 $0x400;
	[sflag:s19] =	ssyncset.done $0x0  }
.LBB2_4:
0x49: {  	s25 =	sshra.s32 s23, $0x2  }
0x4a: {  	[sflag:s19] =	ssyncadd.s32 $0xFFFFC000;
	s23 =	smov.u32 s24;
	s26 =	sadd.s32 $0x200, s24  }
0x4b: {  	[tilespmem:s18], [sflag:$0x1] =	stream.indirect.gather [hbm4b:s4+s21], $0x80, s25, s21, $0xb8;
	[tilespmem:$0x1D000] =	vst v63  }
0x4c: {  	p0 =	sne.s32 s24, $0x9E00;
	_ =	swait.ge [sflag:s22], $0x4000  }
.Ltmp1:
0x4d: {  	[sflag:s22] =	ssyncset.done $0x0;
	(pc) =	sbr.rel @p0 .LBB2_4-.Ltmp1, $4  }
0x4e: {  	s24 =	sadd.s32 $0x2800, s25;
	[sflag:s22] =	ssyncadd.s32 $0xFFFFC000  }
0x4f: {  	[spmem:s2] =	stream.indirect.scatter.add.f32 [tilespmem:s18], [sflag:$0x2], $0x80, s24, s21, $0xb8;
	[tilespmem:$0x1D000] =	vst v63  }
0x50: {  	_ =	swait.ge [sflag:s19], $0x4000  }
0x51: {  	s24 =	smov.u32 s26;
	[sflag:s19] =	ssyncset.done $0x0  }
0x52: {  	s23 =	sshra.s32 s23, $0x2;
	[sflag:s19] =	ssyncadd.s32 $0xFFFFC000  }
0x53: {  	[tilespmem:s18], [sflag:$0x1] =	stream.indirect.gather [hbm4b:s4+s21], $0x80, s23, s21, $0xb8;
	[tilespmem:$0x1D000] =	vst v63  }
0x54: {  	_ =	swait.ge [sflag:s22], $0x4000  }
0x55: {  	[sflag:s22] =	ssyncset.done $0x0  }
0x56: {  	s23 =	sadd.s32 $0x2800, s23;
	[sflag:s22] =	ssyncadd.s32 $0xFFFFC000  }
0x57: {  	[spmem:s2] =	stream.indirect.scatter.add.f32 [tilespmem:s18], [sflag:$0x2], $0x80, s23, s21, $0xb8;
	[tilespmem:$0x1D000] =	vst v63  }
0x58: {  	_ =	swait.ge [sflag:s19], $0x4000  }
0x59: {  	[sflag:s19] =	ssyncset.done $0x0  }
0x5a: {  	s26 =	sshll.u32 s0, $0x6;
	[sflag:s19] =	ssyncadd.s32 $0xFFFFC000  }
0x5b: {  	s24 =	sshrl.u32 s7, $0x3;
	s23 =	sor.u32 $0x1C02, s26;
	[bflag:$0x0] =	sbarrier.arrive $0xFFFF  }
0x5c: {  	[hbm:s8], [sflag:s23] =	dma.local [spmem:s24], $0x800  }
0x5d: {  	_ =	swait.ge [sflag:s19], $0x800  }
0x5e: {  	[sflag:s19] =	ssyncset.done $0x0  }
0x5f: {  	s28 =	sshrl.u32 s10, $0x3;
	[sflag:s19] =	ssyncadd.s32 $0xFFFFF800  }
0x60: {  	[hbm:s14], [sflag:s23] =	dma.local [spmem:s28], $0x800  }
0x61: {  	_ =	swait.ge [sflag:s19], $0x800  }
0x62: {  	[sflag:s19] =	ssyncset.done $0x0  }
0x63: {  	s29 =	sshrl.u32 s11, $0x3;
	[sflag:s19] =	ssyncadd.s32 $0xFFFFF800  }
0x64: {  	[hbm:s15], [sflag:s23] =	dma.local [spmem:s29], $0x800  }
0x65: {  	_ =	swait.ge [sflag:s19], $0x800  }
0x66: {  	[sflag:s19] =	ssyncset.done $0x0  }
0x67: {  	s30 =	sshrl.u32 s12, $0x3;
	[sflag:s19] =	ssyncadd.s32 $0xFFFFF800  }
0x68: {  	[hbm:s16], [sflag:s23] =	dma.local [spmem:s30], $0x800  }
0x69: {  	s3 =	sadd.s32 $0x1, s3;
	_ =	swait.ge [sflag:s19], $0x800  }
0x6a: {  	p0 =	sne.s32 s3, s9;
	[sflag:s19] =	ssyncset.done $0x0  }
.Ltmp2:
0x6b: {  	s31 =	sshrl.u32 s13, $0x3;
	[sflag:s19] =	ssyncadd.s32 $0xFFFFF800;
	(pc) =	sbr.rel @p0 .LBB2_1-.Ltmp2, $4  }
0x6c: {  	[hbm:s17], [sflag:s23] =	dma.local [spmem:s31], $0x800  }
0x6d: {  	_ =	swait.ge [sflag:s19], $0x800  }
0x6e: {  	[sflag:s19] =	ssyncset.done $0x0  }
0x6f: {  	[sflag:s19] =	ssyncadd.s32 $0xFFFFF800  }
0x70: {  	_ =	sfence.sel $0x180000  }
0x71: {  	[bflag:$0x0] =	sbarrier.arrive $0xFFFF  }
0x72: {  	p0 =	sne.s32 s0, $0x0;
	_ =	strace $0x9000004D  }
0x73: {  	s0 =	sadd.s32 @!p0 $0x100000, s1;
	[bflag:$0x2] =	sbarrier.arrive $0xFFFF  }
0x74: {  	[sflag:s0] =	ssyncadd.tile.s32 @!p0 $0x1;
	_ =	shalt  }
.Lfunc_end2:
_tile_overlayer_lowered:
.L_overlay_start_2:
0x75: {  	(tag) =	ssettag $0x2  }
0x76: {  	s0 =	rddreg [dreg:$0x0];
	s2 =	stileid.u32  }
0x77: {  	s1 =	rddreg [dreg:$0x1];
	p0 =	sne.s32 s2, $0x0  }
0x78: {  	s3 =	rddreg [dreg:$0x2];
	[bflag:$0x3] =	sbarrier.arrive $0xFFFF;
	s2 =	simm.s32 @!p0 $0x1C02  }
0x79: {  	[timem:s3], [sflag:s2] =	dma.local @!p0 [hbm:s0], s1  }
0x7a: {  	s0 =	simm.s32 @!p0 $0x2  }
0x7b: {  	_ =	swait.ge @!p0 [sflag:s0], s1  }
0x7c: {  	s1 =	ssub.s32 @!p0 $0x0, s1;
	[sflag:s0] =	ssyncset.done @!p0 $0x0  }
0x7d: {  	[sflag:s0] =	ssyncadd.s32 @!p0 s1  }
0x7e: {  	[bflag:$0x3] =	sbarrier.arrive $0xFFFF  }
0x7f: {  	_ =	shalt  }

// kernel: kernel.19.cloned.1.call-start
scs
__scs_entry_jumppad:
0x0: {  	(pc) =	sbr.rel $0x88, $3  }
0x1: {  	(tag) =	ssettag $0x0;
	lr =	simm.s32 $0x1  }
0x2: {  	[smem:$0x3F86] =	sst lr;
	_ =	strace $0xD0000000  }
0x3: {  	_ = 	snop  }
0x4: {  	_ = 	snop  }
0x5: {  	_ = 	snop  }
0x6: {  	_ = 	snop  }
0x7: {  	_ = 	snop  }
__scs_overlays_trampoline_lowered:
0x8: {  	[smem:$0x3F95] =	sst s0  }
0x9: {  	[smem:$0x3F96] =	sst s1  }
0xa: {  	[smem:$0x3F97] =	sst s2  }
0xb: {  	[smem:$0x3F98] =	sst s3  }
0xc: {  	[smem:$0x3F99] =	sst s4  }
0xd: {  	[smem:$0x3F9A] =	sst s5  }
0xe: {  	[smem:$0x3F9B] =	sst s6  }
0xf: {  	[smem:$0x3F9C] =	sst s7  }
0x10: {  	[smem:$0x3F9D] =	sst s8  }
0x11: {  	[smem:$0x3F9E] =	sst s9;
	s0 =	simm.s32 @!p0 $0x0  }
0x12: {  	s1 =	sld [smem:$0x3F84];
	s0 =	simm.s32 @p0 $0x1  }
0x13: {  	[smem:$0x3F9F] =	sst s0;
	s0 =	simm.s32 @!p1 $0x0  }
0x14: {  	s2 =	sld [smem:$0x3F83];
	s0 =	simm.s32 @p1 $0x1  }
0x15: {  	[smem:$0x3FA0] =	sst s0;
	s0 =	simm.s32 @!p2 $0x0  }
0x16: {  	s3 =	sld [smem:$0x3FDB];
	s0 =	simm.s32 @p2 $0x1  }
0x17: {  	s4 =	simm.s32 $0x1BF5;
	[smem:$0x3FA2] =	sst s0  }
0x18: {  	s0 =	sld [smem:$0x3F85];
	_ =	swait.ge [sflag:s4], $0x0  }
0x19: {  	s7 =	sld [smem:$0x3F86]  }
0x1a: {  	s8 =	sadd.s32 $0xFFFFE003, lr  }
0x1b: {  	s9 =	sadd.s32 $0xFFFFFEF7, lr;
	s5 =	simm.s32 $0xFFFFFFFF;
	p2 =	slt.u32 s8, $0xFFFFF086  }
0x1c: {  	p1 =	slt.u32 s9, $0xF7A;
	s5 =	simm.s32 @!p2 $0x0  }
0x1d: {  	s5 =	simm.s32 @p1 $0x1;
	p0 =	seq.s32 s7, s2  }
0x1e: {  	s7 =	smul.u32 @!p0 $0xF7A, s2;
	p2 =	seq.s32 @!p0 s5, $0x0  }
0x1f: {  	s9 =	smul.u32 $0xF7A, s1;
	s8 =	simm.s32 @!p0 $0x1BF5;
	p2 =	por !p2, p0  }
0x20: {  	[sflag:s8] =	ssyncset.s32 @!p0 $0xFFFFF086;
	s6 =	sadd.s32 @!p0 s3, s7;
	s7 =	simm.s32 @!p0 $0x108  }
0x21: {  	s3 =	sadd.s32 s3, s9;
	s6 =	sadd.s32 @!p0 $0x88, s6;
	s7 =	simm.s32 @p2 $0x1082  }
0x22: {  	[simem:s7], [sflag:s8] =	dma.local @!p0 [hbm:s6], $0xF7A  }
0x23: {  	s9 =	sor.u32 $0xD0000000, s2;
	s6 =	simm.s32 $0x108;
	_ =	swait.ge @!p0 [sflag:s8], $0x0  }
0x24: {  	s3 =	sadd.s32 $0x88, s3;
	s6 =	simm.s32 @!p1 $0x1082;
	[sflag:s4] =	ssyncset.s32 $0xFFFFF086  }
0x25: {  	[simem:s6], [sflag:s4] =	dma.local [hbm:s3], $0xF7A  }
0x26: {  	[smem:$0x3F86] =	sst s1;
	(tag) =	ssettag s2;
	_ =	strace s9  }
0x27: {  	s1 =	sld [smem:$0x3F96]  }
0x28: {  	s2 =	sld [smem:$0x3F97]  }
0x29: {  	s4 =	sld [smem:$0x3F99]  }
0x2a: {  	p0 =	seq.s32 s5, $0x0;
	s5 =	sld [smem:$0x3F9A]  }
0x2b: {  	s6 =	sld [smem:$0x3F9B]  }
0x2c: {  	s7 =	sld [smem:$0x3F9C]  }
0x2d: {  	s3 =	simm.s32 $0x108;
	s8 =	sld [smem:$0x3F9D]  }
0x2e: {  	s3 =	simm.s32 @!p0 $0x1082;
	s9 =	sld [smem:$0x3F9E]  }
0x2f: {  	lr =	sadd.s32 s0, s3;
	s0 =	sld [smem:$0x3F95]  }
0x30: {  	s3 =	sld [smem:$0x3F98]  }
0x31: {  	[smem:$0x3FA1] =	sst s10  }
0x32: {  	s10 =	sld [smem:$0x3F9F];
	_ =	sdelay $0x3  }
0x33: {  	p0 =	seq.s32 s10, $0x1;
	s10 =	sld [smem:$0x3FA1];
	_ =	sdelay $0x3  }
0x34: {  	[smem:$0x3FA1] =	sst s10  }
0x35: {  	s10 =	sld [smem:$0x3FA0];
	_ =	sdelay $0x3  }
0x36: {  	p1 =	seq.s32 s10, $0x1;
	s10 =	sld [smem:$0x3FA1];
	_ =	sdelay $0x3  }
0x37: {  	[smem:$0x3FA1] =	sst s10  }
0x38: {  	s10 =	sld [smem:$0x3FA2]  }
0x39: {  	_ = 	snop;
	(pc) =	sbr.ind lr, $3  }
0x3a: {  	_ = 	snop  }
0x3b: {  	_ = 	snop  }
0x3c: {  	p2 =	seq.s32 s10, $0x1;
	s10 =	sld [smem:$0x3FA1]  }
0x3d: {  	_ =	shalt  }
0x3e: {  	_ =	shalt  }
0x3f: {  	_ =	shalt  }
0x40: {  	_ =	shalt  }
0x41: {  	_ =	shalt  }
0x42: {  	_ =	shalt  }
0x43: {  	_ =	shalt  }
0x44: {  	_ =	shalt  }
0x45: {  	_ =	shalt  }
0x46: {  	_ =	shalt  }
0x47: {  	_ =	shalt  }
0x48: {  	_ =	shalt  }
0x49: {  	_ =	shalt  }
0x4a: {  	_ =	shalt  }
0x4b: {  	_ =	shalt  }
0x4c: {  	_ =	shalt  }
0x4d: {  	_ =	shalt  }
0x4e: {  	_ =	shalt  }
0x4f: {  	_ =	shalt  }
0x50: {  	_ =	shalt  }
0x51: {  	_ =	shalt  }
0x52: {  	_ =	shalt  }
0x53: {  	_ =	shalt  }
0x54: {  	_ =	shalt  }
0x55: {  	_ =	shalt  }
0x56: {  	_ =	shalt  }
0x57: {  	_ =	shalt  }
0x58: {  	_ =	shalt  }
0x59: {  	_ =	shalt  }
0x5a: {  	_ =	shalt  }
0x5b: {  	_ =	shalt  }
0x5c: {  	_ =	shalt  }
0x5d: {  	_ =	shalt  }
0x5e: {  	_ =	shalt  }
0x5f: {  	_ =	shalt  }
0x60: {  	_ =	shalt  }
0x61: {  	_ =	shalt  }
0x62: {  	_ =	shalt  }
0x63: {  	_ =	shalt  }
0x64: {  	_ =	shalt  }
0x65: {  	_ =	shalt  }
0x66: {  	_ =	shalt  }
0x67: {  	_ =	shalt  }
0x68: {  	_ =	shalt  }
0x69: {  	_ =	shalt  }
0x6a: {  	_ =	shalt  }
0x6b: {  	_ =	shalt  }
0x6c: {  	_ =	shalt  }
0x6d: {  	_ =	shalt  }
0x6e: {  	_ =	shalt  }
0x6f: {  	_ =	shalt  }
0x70: {  	_ =	shalt  }
0x71: {  	_ =	shalt  }
0x72: {  	_ =	shalt  }
0x73: {  	_ =	shalt  }
0x74: {  	_ =	shalt  }
0x75: {  	_ =	shalt  }
0x76: {  	_ =	shalt  }
0x77: {  	_ =	shalt  }
0x78: {  	_ =	shalt  }
0x79: {  	_ =	shalt  }
0x7a: {  	_ =	shalt  }
0x7b: {  	_ =	shalt  }
0x7c: {  	_ =	shalt  }
0x7d: {  	_ =	shalt  }
0x7e: {  	_ =	shalt  }
0x7f: {  	_ =	shalt  }
0x80: {  	_ =	shalt  }
0x81: {  	_ =	shalt  }
0x82: {  	_ =	shalt  }
0x83: {  	_ =	shalt  }
0x84: {  	_ =	shalt  }
0x85: {  	_ =	shalt  }
0x86: {  	_ =	shalt  }
0x87: {  	_ =	shalt  }
.Lfunc_end0:
.L_simem_size_0:
called_computation.3_lowered:
.L_overlay_start_0:
0x88: {  	s2 =	sld [smem:$0x3FD9]  }
0x89: {  	s3 =	sld [smem:$0x3FFE];
	_ =	sdelay $0x1  }
0x8a: {  	s1 =	srdreg.scid  }
0x8b: {  	s0 =	sand.u32 $0x1, s1  }
0x8c: {  	s16 =	sshll.u32 s0, $0xA;
	s2 =	sadd.s32 s3, s2  }
0x8d: {  	s2 =	sadd.s32 s2, s16  }
0x8e: {  	[smem:$0x3FAD] =	sst s2  }
0x8f: {  	_ = 	snop  }
0x90: {  	(tm) =	ssettm $0x1  }
0x91: {  	s17 =	sld [smem:$0x3FFB];
	_ =	sdelay $0x3  }
0x92: {  	_ =	strace s17  }
0x93: {  	s2 =	sld [smem:$0x3FFC];
	_ =	sdelay $0x3  }
0x94: {  	_ =	strace s2  }
0x95: {  	s2 =	sld [smem:$0x3FFD];
	_ =	sdelay $0x3  }
0x96: {  	_ =	strace s2  }
0x97: {  	_ =	strace $0x8FFFFFFF  }
0x98: {  	s18 =	sld [smem:$0x3FDB];
	_ =	sdelay $0x1  }
0x99: {  	s19 =	simm.s32 $_scs_section_size  }
0x9a: {  	s4 =	simm.s32 $_size__tile_overlayer_lowered;
	s5 =	simm.s32 $_tile_overlayer_lowered  }
0x9b: {  	s22 =	simm.s32 $0x1BFF;
	s21 =	sshll.u32 s5, $0x1;
	s2 =	sadd.s32 s19, s18  }
0x9c: {  	s6 =	simm.s32 $0x0;
	s20 =	sshll.u32 s4, $0x1;
	s4 =	sadd.s32 s21, s2  }
0x9d: {  	[timem:s6], [sflag:s22] =	dma.local [hbm:s4], s20  }
0x9e: {  	_ =	swait.ge [sflag:s22], s20  }
0x9f: {  	s3 =	ssub.s32 $0x0, s20;
	[sflag:s22] =	ssyncset.done $0x0  }
0xa0: {  	[sflag:s22] =	ssyncadd.s32 s3;
	_ =	sdelay $0x1  }
0xa1: {  	s23 =	simm.s32 $0x1B8B  }
0xa2: {  	_ =	swait.ge [sflag:s23], $0x1  }
0xa3: {  	[sflag:s23] =	ssyncset.done $0x0  }
0xa4: {  	s25 =	simm.s32 $0x1B8E;
	s24 =	sld [smem:$0x3FFE];
	[sflag:s23] =	ssyncadd.s32 $0xFFFFFFFF  }
0xa5: {  	s26 =	simm.s32 $execute0_lowered;
	[smem:$0x3FD2] =	sst s25  }
0xa6: {  	s4 =	sshll.u32 s26, $0x1;
	_ =	strace $0x8000004F;
	[dreg:$0x1] =	wrdreg $0xFFFFFFFF  }
0xa7: {  	s28 =	simm.s32 $_size_execute0_lowered;
	s2 =	sadd.s32 s2, s4;
	[dreg:$0x0] =	wrdreg $0x0  }
0xa8: {  	s4 =	sshll.u32 s28, $0x1;
	[dreg:$0x2] =	wrdreg s2  }
0xa9: {  	[dreg:$0x3] =	wrdreg s4  }
0xaa: {  	[dreg:$0x4] =	wrdreg $0xC0  }
0xab: {  	_ =	task [dreg:s6], $0x5FFFF  }
0xac: {  	[dreg:$0x1] =	wrdreg $0xFFFFFFFF  }
0xad: {  	[dreg:$0x0] =	wrdreg $0x60  }
0xae: {  	[dreg:$0x2] =	wrdreg s24  }
0xaf: {  	[dreg:$0x3] =	wrdreg $0x2A000  }
0xb0: {  	[dreg:$0x4] =	wrdreg $0x9  }
0xb1: {  	_ =	task.clear_ibuf [dreg:s6], $0x5FFFF;
	_ =	strace $0x9000004F  }
0xb2: {  	s29 =	simm.s32 $0x9;
	_ =	strace $0x80000051  }
0xb3: {  	_ =	swait.ge [sflag:s29], $0x1  }
0xb4: {  	[sflag:s29] =	ssyncadd.s32 $0xFFFFFFFF  }
0xb5: {  	_ =	strace $0x90000051  }
0xb6: {  	_ =	sfence  }
0xb7: {  	s30 =	sld [smem:$0x0];
	_ =	sdelay $0x2  }
0xb8: {  	s31 =	sshll.u32 s1, $0xD;
	s1 =	sshrl.u32 s1, $0x2  }
0xb9: {  	s3 =	sand.u32 $0x4000, s31;
	s1 =	sadd.s32 s1, s30  }
0xba: {  	s0 =	sor.u32 s3, s0;
	s1 =	sshll.u32 s1, $0x11  }
0xbb: {  	s0 =	sor.u32 s1, s0  }
0xbc: {  	s0 =	sadd.s32 $0x8F2B, s0  }
0xbd: {  	[sflag:s0] =	ssyncadd.remote.s32 $0x1  }
0xbe: {  	_ =	sfence.sel $0xFFFF  }
0xbf: {  	[dreg:$0x0] =	wrdreg $0xFFFFFFFF;
	(pc) =	sbr.abs _section_cstart, $3  }
0xc0: {  	[dreg:$0x1] =	wrdreg $0xFFFFFFFF  }
0xc1: {  	_ =	task.clear_ibuf [dreg:s6], $0x2FFFF;
	_ =	strace $0x9FFFFFFF  }
0xc2: {  	(tm) =	ssettm $0x7FFFFFFF  }
0xc3: {  	_ =	shalt  }
tec
execute0_lowered:
.L_overlay_start_1:
0x0: {  	(tag) =	ssettag $0x1  }
0x1: {  	s15 =	rddreg [dreg:$0x0]  }
0x2: {  	s1 =	rddreg [dreg:$0x1];
	s2 =	simm.s32 $0x0  }
0x3: {  	v0 =	vimm.f32 $0.0e+00;
	[smem:$0x7FF] =	sst s2  }
0x4: {  	s0 =	rddreg [dreg:$0x2];
	_ =	strace $0x80000050;
	[tilespmem:$0x220] =	vst v0  }
0x5: {  	[tilespmem:$0x230] =	vst v0  }
0x6: {  	[tilespmem:$0x240] =	vst v0  }
0x7: {  	[tilespmem:$0x250] =	vst v0  }
0x8: {  	[tilespmem:$0x260] =	vst v0  }
0x9: {  	[tilespmem:$0x270] =	vst v0  }
0xa: {  	[tilespmem:$0x200] =	vst v0  }
0xb: {  	[tilespmem:$0x5F0] =	vst v0  }
0xc: {  	[tilespmem:$0x5E0] =	vst v0  }
0xd: {  	[tilespmem:$0x5D0] =	vst v0  }
0xe: {  	[tilespmem:$0x5C0] =	vst v0  }
0xf: {  	[tilespmem:$0x5B0] =	vst v0  }
0x10: {  	[tilespmem:$0x5A0] =	vst v0  }
0x11: {  	[tilespmem:$0x590] =	vst v0  }
0x12: {  	[tilespmem:$0x580] =	vst v0  }
0x13: {  	[tilespmem:$0x570] =	vst v0  }
0x14: {  	[tilespmem:$0x560] =	vst v0  }
0x15: {  	[tilespmem:$0x550] =	vst v0  }
0x16: {  	[tilespmem:$0x540] =	vst v0  }
0x17: {  	[tilespmem:$0x530] =	vst v0  }
0x18: {  	[tilespmem:$0x520] =	vst v0  }
0x19: {  	[tilespmem:$0x510] =	vst v0  }
0x1a: {  	[tilespmem:$0x500] =	vst v0  }
0x1b: {  	[tilespmem:$0x4E0] =	vst v0  }
0x1c: {  	[tilespmem:$0x4F0] =	vst v0  }
0x1d: {  	[tilespmem:$0x4D0] =	vst v0  }
0x1e: {  	[tilespmem:$0x4C0] =	vst v0  }
0x1f: {  	[tilespmem:$0x4B0] =	vst v0  }
0x20: {  	[tilespmem:$0x4A0] =	vst v0  }
0x21: {  	[tilespmem:$0x490] =	vst v0  }
0x22: {  	[tilespmem:$0x480] =	vst v0  }
0x23: {  	[tilespmem:$0x470] =	vst v0  }
0x24: {  	[tilespmem:$0x460] =	vst v0  }
0x25: {  	[tilespmem:$0x450] =	vst v0  }
0x26: {  	[tilespmem:$0x440] =	vst v0  }
0x27: {  	[tilespmem:$0x430] =	vst v0  }
0x28: {  	[tilespmem:$0x420] =	vst v0  }
0x29: {  	[tilespmem:$0x410] =	vst v0  }
0x2a: {  	[tilespmem:$0x400] =	vst v0  }
0x2b: {  	[tilespmem:$0x3F0] =	vst v0  }
0x2c: {  	[tilespmem:$0x3E0] =	vst v0  }
0x2d: {  	[tilespmem:$0x3D0] =	vst v0  }
0x2e: {  	[tilespmem:$0x3C0] =	vst v0  }
0x2f: {  	[tilespmem:$0x3B0] =	vst v0  }
0x30: {  	[tilespmem:$0x3A0] =	vst v0  }
0x31: {  	[tilespmem:$0x390] =	vst v0  }
0x32: {  	[tilespmem:$0x380] =	vst v0  }
0x33: {  	[tilespmem:$0x370] =	vst v0  }
0x34: {  	[tilespmem:$0x360] =	vst v0  }
0x35: {  	[tilespmem:$0x350] =	vst v0  }
0x36: {  	[tilespmem:$0x340] =	vst v0  }
0x37: {  	[tilespmem:$0x330] =	vst v0  }
0x38: {  	[tilespmem:$0x320] =	vst v0  }
0x39: {  	[tilespmem:$0x310] =	vst v0  }
0x3a: {  	[tilespmem:$0x300] =	vst v0  }
0x3b: {  	[tilespmem:$0x2F0] =	vst v0  }
0x3c: {  	[tilespmem:$0x2E0] =	vst v0  }
0x3d: {  	[tilespmem:$0x2D0] =	vst v0  }
0x3e: {  	s3 =	srdreg.scid;
	[tilespmem:$0x2C0] =	vst v0  }
0x3f: {  	s16 =	sand.u32 $0x1, s3;
	[tilespmem:$0x2B0] =	vst v0  }
0x40: {  	s3 =	stileid.u32;
	s4 =	sshll.u32 s16, $0x6;
	[tilespmem:$0x2A0] =	vst v0  }
0x41: {  	s5 =	sshll.u32 s3, $0x2;
	s17 =	sshll.u32 s3, $0x6;
	s6 =	sshll.u32 s3, $0xA;
	[tilespmem:$0x290] =	vst v0  }
0x42: {  	[tilespmem:$0x280] =	vst v0;
	s8 =	sor.u32 s5, s4;
	s7 =	sand.u32 $0x40, s17;
	s4 =	sadd.s32 s6, s1  }
0x43: {  	[tilespmem:$0x210] =	vst v0;
	s6 =	simm.s32 $0x200;
	s5 =	simm.s32 $0x1;
	s9 =	sshll.u32 s8, $0x4  }
0x44: {  	[spmem:s4] =	stream.linear.scatter [tilespmem:s6], [sflag:$0x1], $0x400, $0x38;
	[tilespmem:$0x2E00] =	vst v63  }
0x45: {  	s7 =	sadd.s32 s7, s15;
	s9 =	sand.u32 $0x780, s9;
	_ =	swait.ge [sflag:s5], $0x400  }
0x46: {  	s7 =	sadd.s32 s9, s7;
	[sflag:s5] =	ssyncset.done $0x0  }
0x47: {  	s7 =	sadd.s32 $0x91E00, s7;
	[sflag:s5] =	ssyncadd.s32 $0xFFFFFC00  }
0x48: {  	[tilespmem:s2], [sflag:$0x1] =	stream.linear.gather [hbm4b:s7+s2], $0x200, $0x38;
	[tilespmem:$0x2E00] =	vst v63  }
0x49: {  	s8 =	smul.u32 $0x500, s8;
	_ =	swait.ge [sflag:s5], $0x200  }
0x4a: {  	[sflag:s5] =	ssyncset.done $0x0  }
0x4b: {  	s14 =	sadd.s32 s8, s15;
	[sflag:s5] =	ssyncadd.s32 $0xFFFFFE00  }
0x4c: {  	s8 =	sadd.s32 $0x5E00, s14;
	[bflag:$0x0] =	sbarrier.arrive $0xFFFF  }
0x4d: {  	[tilespmem:s6], [sflag:$0x1] =	stream.linear.gather [hbm4b:s8+s2], $0x2800, $0x38;
	[tilespmem:$0x2E00] =	vst v63  }
0x4e: {  	_ =	swait.ge [sflag:s5], $0x2800  }
0x4f: {  	[sflag:s5] =	ssyncset.done $0x0  }
0x50: {  	s9 =	simm.s32 $0x50;
	[sflag:s5] =	ssyncadd.s32 $0xFFFFD800  }
0x51: {  	[spmem:s1] =	stream.indirect.scatter.add.f32 [tilespmem:s6], [sflag:$0x1], $0x80, s2, s9, $0xb8;
	[tilespmem:$0x2E00] =	vst v63  }
0x52: {  	_ =	swait.ge [sflag:s5], $0x2800  }
0x53: {  	[sflag:s5] =	ssyncset.done $0x0  }
0x54: {  	s10 =	sadd.s32 $0x6300, s14;
	[sflag:s5] =	ssyncadd.s32 $0xFFFFD800  }
0x55: {  	[tilespmem:s6], [sflag:$0x1] =	stream.linear.gather [hbm4b:s10+s2], $0x2800, $0x38;
	[tilespmem:$0x2E00] =	vst v63  }
0x56: {  	_ =	swait.ge [sflag:s5], $0x2800  }
0x57: {  	[sflag:s5] =	ssyncset.done $0x0  }
0x58: {  	s11 =	simm.s32 $0x80;
	[sflag:s5] =	ssyncadd.s32 $0xFFFFD800  }
0x59: {  	[spmem:s1] =	stream.indirect.scatter.add.f32 [tilespmem:s6], [sflag:$0x1], $0x80, s11, s9, $0xb8;
	[tilespmem:$0x2E00] =	vst v63  }
0x5a: {  	_ =	swait.ge [sflag:s5], $0x2800  }
0x5b: {  	[sflag:s5] =	ssyncset.done $0x0  }
0x5c: {  	s12 =	sadd.s32 $0x6800, s14;
	[sflag:s5] =	ssyncadd.s32 $0xFFFFD800  }
0x5d: {  	[tilespmem:s6], [sflag:$0x1] =	stream.linear.gather [hbm4b:s12+s2], $0x2800, $0x38;
	[tilespmem:$0x2E00] =	vst v63  }
0x5e: {  	_ =	swait.ge [sflag:s5], $0x2800  }
0x5f: {  	[sflag:s5] =	ssyncset.done $0x0  }
0x60: {  	s13 =	simm.s32 $0x100;
	[sflag:s5] =	ssyncadd.s32 $0xFFFFD800  }
0x61: {  	[spmem:s1] =	stream.indirect.scatter.add.f32 [tilespmem:s6], [sflag:$0x1], $0x80, s13, s9, $0xb8;
	[tilespmem:$0x2E00] =	vst v63  }
0x62: {  	_ =	swait.ge [sflag:s5], $0x2800  }
0x63: {  	[sflag:s5] =	ssyncset.done $0x0  }
0x64: {  	s14 =	sadd.s32 $0x6D00, s14;
	[sflag:s5] =	ssyncadd.s32 $0xFFFFD800  }
0x65: {  	[tilespmem:s6], [sflag:$0x1] =	stream.linear.gather [hbm4b:s14+s2], $0x2800, $0x38;
	[tilespmem:$0x2E00] =	vst v63  }
0x66: {  	s18 =	sshll.u32 s3, $0x7;
	s19 =	ssub.s32 $0x2, s16;
	_ =	swait.ge [sflag:s5], $0x2800  }
0x67: {  	s18 =	sadd.s32 s18, s15;
	s20 =	sshrl.u32 s19, $0x1;
	[sflag:s5] =	ssyncset.done $0x0  }
0x68: {  	s19 =	ssub.s32 s19, s20;
	s15 =	simm.s32 $0x180;
	[sflag:s5] =	ssyncadd.s32 $0xFFFFD800  }
0x69: {  	[spmem:s1] =	stream.indirect.scatter.add.f32 [tilespmem:s6], [sflag:$0x1], $0x80, s15, s9, $0xb8;
	[tilespmem:$0x2E00] =	vst v63  }
0x6a: {  	s16 =	sshll.u32 s16, $0xB;
	s19 =	smax.u32 s19, $0x1;
	_ =	swait.ge [sflag:s5], $0x2800  }
0x6b: {  	s17 =	sor.u32 $0x1C01, s17;
	p0 =	sne.s32 s19, $0x1;
	[sflag:s5] =	ssyncset.done $0x0  }
.Ltmp0:
0x6c: {  	s16 =	sadd.s32 s16, s18;
	[sflag:s5] =	ssyncadd.s32 $0xFFFFD800;
	(pc) =	sbr.rel @!p0 .LBB2_2-.Ltmp0, $4  }
0x6d: {  	s18 =	sshrl.u32 s4, $0x3;
	s16 =	sadd.s32 $0x2DE00, s16;
	[bflag:$0x0] =	sbarrier.arrive $0xFFFF  }
0x6e: {  	[hbm:s16], [sflag:s17] =	dma.local [spmem:s18], $0x80  }
0x6f: {  	_ =	swait.ge [sflag:s5], $0x80  }
0x70: {  	s19 =	sadd.s32 $0xFFFFFFFF, s19;
	[sflag:s5] =	ssyncset.done $0x0  }
.LBB2_1:
0x71: {  	p0 =	sne.s32 s19, $0x1;
	s19 =	sadd.s32 $0xFFFFFFFF, s19;
	[sflag:s5] =	ssyncadd.s32 $0xFFFFFF80  }
0x72: {  	[tilespmem:$0x220] =	vst v0  }
0x73: {  	[tilespmem:$0x230] =	vst v0  }
0x74: {  	[tilespmem:$0x240] =	vst v0  }
0x75: {  	[tilespmem:$0x250] =	vst v0  }
0x76: {  	[tilespmem:$0x260] =	vst v0  }
0x77: {  	[tilespmem:$0x270] =	vst v0  }
0x78: {  	[tilespmem:$0x200] =	vst v0  }
0x79: {  	[tilespmem:$0x5F0] =	vst v0  }
0x7a: {  	[tilespmem:$0x5E0] =	vst v0  }
0x7b: {  	[tilespmem:$0x5D0] =	vst v0  }
0x7c: {  	[tilespmem:$0x5C0] =	vst v0  }
0x7d: {  	[tilespmem:$0x5B0] =	vst v0  }
0x7e: {  	[tilespmem:$0x5A0] =	vst v0  }
0x7f: {  	[tilespmem:$0x590] =	vst v0  }
0x80: {  	[tilespmem:$0x580] =	vst v0  }
0x81: {  	[tilespmem:$0x570] =	vst v0  }
0x82: {  	[tilespmem:$0x560] =	vst v0  }
0x83: {  	[tilespmem:$0x550] =	vst v0  }
0x84: {  	[tilespmem:$0x540] =	vst v0  }
0x85: {  	[tilespmem:$0x530] =	vst v0  }
0x86: {  	[tilespmem:$0x520] =	vst v0  }
0x87: {  	[tilespmem:$0x510] =	vst v0  }
0x88: {  	[tilespmem:$0x500] =	vst v0  }
0x89: {  	[tilespmem:$0x4E0] =	vst v0  }
0x8a: {  	[tilespmem:$0x4F0] =	vst v0  }
0x8b: {  	[tilespmem:$0x4D0] =	vst v0  }
0x8c: {  	[tilespmem:$0x4C0] =	vst v0  }
0x8d: {  	[tilespmem:$0x4B0] =	vst v0  }
0x8e: {  	[tilespmem:$0x4A0] =	vst v0  }
0x8f: {  	[tilespmem:$0x490] =	vst v0  }
0x90: {  	[tilespmem:$0x480] =	vst v0  }
0x91: {  	[tilespmem:$0x470] =	vst v0  }
0x92: {  	[tilespmem:$0x460] =	vst v0  }
0x93: {  	[tilespmem:$0x450] =	vst v0  }
0x94: {  	[tilespmem:$0x440] =	vst v0  }
0x95: {  	[tilespmem:$0x430] =	vst v0  }
0x96: {  	[tilespmem:$0x420] =	vst v0  }
0x97: {  	[tilespmem:$0x410] =	vst v0  }
0x98: {  	[tilespmem:$0x400] =	vst v0  }
0x99: {  	[tilespmem:$0x3F0] =	vst v0  }
0x9a: {  	[tilespmem:$0x3E0] =	vst v0  }
0x9b: {  	[tilespmem:$0x3D0] =	vst v0  }
0x9c: {  	[tilespmem:$0x3C0] =	vst v0  }
0x9d: {  	[tilespmem:$0x3B0] =	vst v0  }
0x9e: {  	[tilespmem:$0x3A0] =	vst v0  }
0x9f: {  	[tilespmem:$0x390] =	vst v0  }
0xa0: {  	[tilespmem:$0x380] =	vst v0  }
0xa1: {  	[tilespmem:$0x370] =	vst v0  }
0xa2: {  	[tilespmem:$0x360] =	vst v0  }
0xa3: {  	[tilespmem:$0x350] =	vst v0  }
0xa4: {  	[tilespmem:$0x340] =	vst v0  }
0xa5: {  	[tilespmem:$0x330] =	vst v0  }
0xa6: {  	[tilespmem:$0x320] =	vst v0  }
0xa7: {  	[tilespmem:$0x310] =	vst v0  }
0xa8: {  	[tilespmem:$0x300] =	vst v0  }
0xa9: {  	[tilespmem:$0x2F0] =	vst v0  }
0xaa: {  	[tilespmem:$0x2E0] =	vst v0  }
0xab: {  	[tilespmem:$0x2D0] =	vst v0  }
0xac: {  	[tilespmem:$0x2C0] =	vst v0  }
0xad: {  	[tilespmem:$0x2B0] =	vst v0  }
0xae: {  	[tilespmem:$0x2A0] =	vst v0  }
0xaf: {  	[tilespmem:$0x290] =	vst v0  }
0xb0: {  	[tilespmem:$0x280] =	vst v0  }
0xb1: {  	[tilespmem:$0x210] =	vst v0  }
0xb2: {  	[spmem:s4] =	stream.linear.scatter [tilespmem:s6], [sflag:$0x1], $0x400, $0x38;
	[tilespmem:$0x2E00] =	vst v63  }
0xb3: {  	_ =	swait.ge [sflag:s5], $0x400  }
0xb4: {  	[sflag:s5] =	ssyncset.done $0x0  }
0xb5: {  	[sflag:s5] =	ssyncadd.s32 $0xFFFFFC00  }
0xb6: {  	[tilespmem:s2], [sflag:$0x1] =	stream.linear.gather [hbm4b:s7+s2], $0x200, $0x38;
	[tilespmem:$0x2E00] =	vst v63  }
0xb7: {  	_ =	swait.ge [sflag:s5], $0x200  }
0xb8: {  	[sflag:s5] =	ssyncset.done $0x0  }
0xb9: {  	[sflag:s5] =	ssyncadd.s32 $0xFFFFFE00  }
0xba: {  	[bflag:$0x0] =	sbarrier.arrive $0xFFFF  }
0xbb: {  	[tilespmem:s6], [sflag:$0x1] =	stream.linear.gather [hbm4b:s8+s2], $0x2800, $0x38;
	[tilespmem:$0x2E00] =	vst v63  }
0xbc: {  	_ =	swait.ge [sflag:s5], $0x2800  }
0xbd: {  	[sflag:s5] =	ssyncset.done $0x0  }
0xbe: {  	[sflag:s5] =	ssyncadd.s32 $0xFFFFD800  }
0xbf: {  	[spmem:s1] =	stream.indirect.scatter.add.f32 [tilespmem:s6], [sflag:$0x1], $0x80, s2, s9, $0xb8;
	[tilespmem:$0x2E00] =	vst v63  }
0xc0: {  	_ =	swait.ge [sflag:s5], $0x2800  }
0xc1: {  	[sflag:s5] =	ssyncset.done $0x0  }
0xc2: {  	[sflag:s5] =	ssyncadd.s32 $0xFFFFD800  }
0xc3: {  	[tilespmem:s6], [sflag:$0x1] =	stream.linear.gather [hbm4b:s10+s2], $0x2800, $0x38;
	[tilespmem:$0x2E00] =	vst v63  }
0xc4: {  	_ =	swait.ge [sflag:s5], $0x2800  }
0xc5: {  	[sflag:s5] =	ssyncset.done $0x0  }
0xc6: {  	[sflag:s5] =	ssyncadd.s32 $0xFFFFD800  }
0xc7: {  	[spmem:s1] =	stream.indirect.scatter.add.f32 [tilespmem:s6], [sflag:$0x1], $0x80, s11, s9, $0xb8;
	[tilespmem:$0x2E00] =	vst v63  }
0xc8: {  	_ =	swait.ge [sflag:s5], $0x2800  }
0xc9: {  	[sflag:s5] =	ssyncset.done $0x0  }
0xca: {  	[sflag:s5] =	ssyncadd.s32 $0xFFFFD800  }
0xcb: {  	[tilespmem:s6], [sflag:$0x1] =	stream.linear.gather [hbm4b:s12+s2], $0x2800, $0x38;
	[tilespmem:$0x2E00] =	vst v63  }
0xcc: {  	_ =	swait.ge [sflag:s5], $0x2800  }
0xcd: {  	[sflag:s5] =	ssyncset.done $0x0  }
0xce: {  	[sflag:s5] =	ssyncadd.s32 $0xFFFFD800  }
0xcf: {  	[spmem:s1] =	stream.indirect.scatter.add.f32 [tilespmem:s6], [sflag:$0x1], $0x80, s13, s9, $0xb8;
	[tilespmem:$0x2E00] =	vst v63  }
0xd0: {  	_ =	swait.ge [sflag:s5], $0x2800  }
0xd1: {  	[sflag:s5] =	ssyncset.done $0x0  }
0xd2: {  	[sflag:s5] =	ssyncadd.s32 $0xFFFFD800  }
0xd3: {  	[tilespmem:s6], [sflag:$0x1] =	stream.linear.gather [hbm4b:s14+s2], $0x2800, $0x38;
	[tilespmem:$0x2E00] =	vst v63  }
0xd4: {  	_ =	swait.ge [sflag:s5], $0x2800  }
0xd5: {  	[sflag:s5] =	ssyncset.done $0x0  }
0xd6: {  	[sflag:s5] =	ssyncadd.s32 $0xFFFFD800  }
0xd7: {  	[spmem:s1] =	stream.indirect.scatter.add.f32 [tilespmem:s6], [sflag:$0x1], $0x80, s15, s9, $0xb8;
	[tilespmem:$0x2E00] =	vst v63  }
0xd8: {  	_ =	swait.ge [sflag:s5], $0x2800  }
0xd9: {  	[sflag:s5] =	ssyncset.done $0x0  }
.Ltmp1:
0xda: {  	[sflag:s5] =	ssyncadd.s32 $0xFFFFD800;
	(pc) =	sbr.rel @p0 .LBB2_1-.Ltmp1, $4  }
0xdb: {  	[bflag:$0x0] =	sbarrier.arrive $0xFFFF  }
0xdc: {  	[hbm:s16], [sflag:s17] =	dma.local [spmem:s18], $0x80  }
0xdd: {  	_ =	swait.ge [sflag:s5], $0x80  }
0xde: {  	[sflag:s5] =	ssyncset.done $0x0  }
.LBB2_2:
0xdf: {  	[sflag:s5] =	ssyncadd.s32 $0xFFFFFF80  }
0xe0: {  	_ =	sfence.sel $0x180000  }
0xe1: {  	[bflag:$0x0] =	sbarrier.arrive $0xFFFF  }
0xe2: {  	p0 =	sne.s32 s3, $0x0;
	_ =	strace $0x90000050  }
0xe3: {  	s0 =	sadd.s32 @!p0 $0x100000, s0;
	[bflag:$0x2] =	sbarrier.arrive $0xFFFF  }
0xe4: {  	[sflag:s0] =	ssyncadd.tile.s32 @!p0 $0x1;
	_ =	shalt  }
.Lfunc_end2:
_tile_overlayer_lowered:
.L_overlay_start_2:
0xe5: {  	(tag) =	ssettag $0x2  }
0xe6: {  	s0 =	rddreg [dreg:$0x0];
	s2 =	stileid.u32  }
0xe7: {  	s1 =	rddreg [dreg:$0x1];
	p0 =	sne.s32 s2, $0x0  }
0xe8: {  	s3 =	rddreg [dreg:$0x2];
	[bflag:$0x3] =	sbarrier.arrive $0xFFFF;
	s2 =	simm.s32 @!p0 $0x1C01  }
0xe9: {  	[timem:s3], [sflag:s2] =	dma.local @!p0 [hbm:s0], s1  }
0xea: {  	s0 =	simm.s32 @!p0 $0x1  }
0xeb: {  	_ =	swait.ge @!p0 [sflag:s0], s1  }
0xec: {  	s1 =	ssub.s32 @!p0 $0x0, s1;
	[sflag:s0] =	ssyncset.done @!p0 $0x0  }
0xed: {  	[sflag:s0] =	ssyncadd.s32 @!p0 s1  }
0xee: {  	[bflag:$0x3] =	sbarrier.arrive $0xFFFF  }
0xef: {  	_ =	shalt  }

</sc_bundles>
